<compile_context>
chip_gen: v7x
topology: tpu7x:2x2x1
jax: 0.10.2.dev20260603
libtpu: 0.0.44.dev20260713+nightly
codegen_flags: <defaults>
</compile_context>

<pallas_src>
import dataclasses
import functools

import jax
import jax.numpy as jnp
from jax import lax
from jax.experimental import pallas as pl
from jax.experimental.pallas import tpu as pltpu
from jax.experimental.pallas import tpu_sc as plsc

TOP_K = 8
E = 64
L = 16
ROWS_PER_BLOCK = 128


def _merge16(k0, p0, k1a, p1a, descending):
    take0 = k0 >= k1a
    km = jnp.where(take0, k0, k1a)
    pm = jnp.where(take0, p0, p1a)
    return plsc.sort_key_val(km, pm, descending=descending)


def _sc_body(x_vmem, w_vmem, i_vmem):
    iota = lax.iota(jnp.int32, L)
    idx_base = [iota + L * j for j in range(4)]

    @plsc.parallel_loop(0, ROWS_PER_BLOCK, 1, unroll=2)
    def _(row):
        xrow = x_vmem.at[row]
        chunks = [xrow[pl.ds(L * j, L)] for j in range(4)]
        sorted_kp = [
            plsc.sort_key_val(chunks[j], idx_base[j], descending=(j % 2 == 0))
            for j in range(4)
        ]
        k01, p01 = _merge16(*sorted_kp[0], *sorted_kp[1], descending=True)
        k23, p23 = _merge16(*sorted_kp[2], *sorted_kp[3], descending=False)
        kf, pf = _merge16(k01, p01, k23, p23, descending=True)
        e_sum = (
            jnp.exp(chunks[0])
            + jnp.exp(chunks[1])
            + jnp.exp(chunks[2])
            + jnp.exp(chunks[3])
        )
        s = jnp.sum(e_sum)
        s_vec = lax.broadcast_in_dim(s, (L,), ())
        w_vmem.at[row][...] = jnp.exp(kf) / s_vec
        i_vmem.at[row][...] = pf


@jax.jit
def kernel(x):
    n, e = x.shape
    n_blocks = n // ROWS_PER_BLOCK
    mesh = plsc.VectorSubcoreMesh(core_axis_name="c", subcore_axis_name="s")
    cp = pltpu.CompilerParams()
    fields = pltpu.CompilerParams.__dataclass_fields__
    if "needs_layout_passes" in fields:
        cp = dataclasses.replace(cp, needs_layout_passes=False)
    if "use_tc_tiling_on_sc" in fields:
        cp = dataclasses.replace(cp, use_tc_tiling_on_sc=False)

    @functools.partial(
        pl.kernel,
        out_type=(
            jax.ShapeDtypeStruct((n, 128), jnp.float32),
            jax.ShapeDtypeStruct((n, 128), jnp.int32),
        ),
        mesh=mesh,
        compiler_params=cp,
    )
    def sc_run(x_hbm, w_hbm, i_hbm):
        pltpu.emit_pipeline(
            _sc_body,
            grid=(n_blocks,),
            in_specs=[
                pl.BlockSpec((ROWS_PER_BLOCK, E), lambda i: (i, 0))
            ],
            out_specs=[
                pl.BlockSpec((ROWS_PER_BLOCK, L), lambda i: (i, 0)),
                pl.BlockSpec((ROWS_PER_BLOCK, L), lambda i: (i, 0)),
            ],
            core_axis_name=("c", "s"),
            dimension_semantics=(pltpu.PARALLEL,),
        )(x_hbm, w_hbm, i_hbm)

    w_wide, i_wide = sc_run(x)
    return w_wide[:, :TOP_K], i_wide[:, :TOP_K]

# --- scband reference (transcript-rebuilt; emitter-appended) ---
"""Pipeline reference for scband-softmax-top-k-66563403153435 (READ-ONLY COPY).

The authoritative reference and input builder live on the scoring server;
editing this copy changes nothing except your own understanding.
"""

import jax, jax.numpy as jnp
import numpy as np

TOP_K = 8


def setup_inputs(seed: int = 0) -> dict:
    key = jax.random.key(seed)
    x = jax.random.normal(key, (32768, 64), dtype=jnp.float32)
    return {"x": x}


def reference(x):
    # SoftmaxTopK: softmax over the last dim, then top-k selection
    # returning (topk_weights, topk_indices), matching the default
    # backend impl of lmdeploy-style SoftmaxTopK with dim=-1, n_groups=-1.
    probs = jax.nn.softmax(x, axis=-1)
    topk_weights, topk_ids = jax.lax.top_k(probs, TOP_K)
    return topk_weights, topk_ids

if __name__ == "__main__":
    import jax
    _d = setup_inputs()
    print(jax.jit(kernel)(*tuple(_d.values())))

</pallas_src>

<mosaic_0001>
#map = affine_map<(d0, d1) -> (0, 0)>
module attributes {stable_mosaic.version = 14 : i64} {
  func.func @sc_run(%arg0: i32, %arg1: i32, %arg2: memref<32768x64xf32, #tpu.memory_space<hbm>>, %arg3: memref<32768x128xf32, #tpu.memory_space<hbm>>, %arg4: memref<32768x128xi32, #tpu.memory_space<hbm>>) attributes {dimension_semantics = [#tpu.dimension_semantics<core_parallel>, #tpu.dimension_semantics<subcore_parallel>], iteration_bounds = array<i64: 2, 16>, scalar_prefetch = 0 : i64, scratch_operands = 0 : i64, tpu.core_type = #tpu.core_type<sc_vector_subcore>, window_params = [{transform_indices = #map}, {transform_indices = #map}, {transform_indices = #map}]} {
    %mul3A = arith.constant 1 : i32
    %mul3A_0 = arith.muli %arg1, %mul3A : i32
    %add3A = arith.constant 0 : i32
    %add3A_1 = arith.addi %add3A, %mul3A_0 : i32
    %mul3A_2 = arith.constant 16 : i32
    %mul3A_3 = arith.muli %arg0, %mul3A_2 : i32
    %add3A_4 = arith.addi %add3A_1, %mul3A_3 : i32
    %mul3A_5 = arith.constant 8 : i32
    %mul3A_6 = arith.muli %add3A_4, %mul3A_5 : i32
    "tpu.region"() ({
      %run_scoped3A = memref.alloca() : memref<2x128x64xf32, #tpu.memory_space<vmem>>
      %run_scoped3A_7 = tpu.sem_alloc : memref<2x!tpu.dma_semaphore, #tpu.memory_space<semaphore_mem>>
      %run_scoped3A_8 = memref.alloca() : memref<2x128x16xf32, #tpu.memory_space<vmem>>
      %run_scoped3A_9 = tpu.sem_alloc : memref<2x!tpu.dma_semaphore, #tpu.memory_space<semaphore_mem>>
      %run_scoped3A_10 = memref.alloca() : memref<2x128x16xi32, #tpu.memory_space<vmem>>
      %run_scoped3A_11 = tpu.sem_alloc : memref<2x!tpu.dma_semaphore, #tpu.memory_space<semaphore_mem>>
      %add3A_12 = arith.constant 0 : i32
      %add3A_13 = arith.addi %add3A_12, %mul3A_6 : i32
      %select_n3A = arith.constant true
      %select_n3A_14 = arith.constant 0 : i32
      %select_n3A_15 = arith.constant -1 : i32
      %select_n3A_16 = arith.select %select_n3A, %select_n3A_15, %select_n3A_14 : i32
      %eq3A = arith.constant -1 : i32
      %eq3A_17 = arith.cmpi eq, %select_n3A_16, %eq3A : i32
      %select_n3A_18 = arith.constant 7 : i32
      %select_n3A_19 = arith.select %eq3A_17, %select_n3A_18, %select_n3A_16 : i32
      %add3A_20 = arith.addi %select_n3A_19, %mul3A_6 : i32
      %select_n3A_21 = arith.constant true
      %select_n3A_22 = arith.constant 0 : i32
      %select_n3A_23 = arith.constant 1 : i32
      %select_n3A_24 = arith.select %select_n3A_21, %select_n3A_23, %select_n3A_22 : i32
      %eq3A_25 = arith.constant 8 : i32
      %eq3A_26 = arith.cmpi eq, %select_n3A_24, %eq3A_25 : i32
      %select_n3A_27 = arith.constant 0 : i32
      %select_n3A_28 = arith.select %eq3A_26, %select_n3A_27, %select_n3A_24 : i32
      %add3A_29 = arith.addi %select_n3A_28, %mul3A_6 : i32
      %add3A_30 = arith.constant 1 : i32
      %add3A_31 = arith.addi %select_n3A_28, %add3A_30 : i32
      %select_n3A_32 = arith.constant true
      %select_n3A_33 = arith.select %select_n3A_32, %add3A_31, %select_n3A_28 : i32
      %eq3A_34 = arith.constant 8 : i32
      %eq3A_35 = arith.cmpi eq, %select_n3A_33, %eq3A_34 : i32
      %select_n3A_36 = arith.constant 0 : i32
      %select_n3A_37 = arith.select %eq3A_35, %select_n3A_36, %select_n3A_33 : i32
      %add3A_38 = arith.addi %select_n3A_37, %mul3A_6 : i32
      "tpu.trace_start"() <{level = 10 : i32, message = "ep_initialize_0"}> : () -> ()
      %rem3A = arith.constant 0 : i32
      %rem3A_39 = arith.constant 2 : i32
      %rem3A_40 = arith.remui %rem3A, %rem3A_39 : i32
      %mul3A_41 = arith.constant 128 : i32
      %mul3A_42 = arith.muli %mul3A_41, %add3A_13 : i32
      %dma_start3A = arith.constant 0 : i32
      %dma_start3A_43 = arith.constant 0 : i32
      %dma_start3A_44 = tpu.memref_slice %run_scoped3A[%rem3A_40, %dma_start3A, %dma_start3A_43] : memref<2x128x64xf32, #tpu.memory_space<vmem>> -> memref<1x128x64xf32, #tpu.memory_space<vmem>>
      %dma_start3A_45 = tpu.memref_squeeze %dma_start3A_44 : memref<1x128x64xf32, #tpu.memory_space<vmem>> -> memref<128x64xf32, #tpu.memory_space<vmem>>
      %dma_start3A_46 = arith.constant 0 : i32
      %dma_start3A_47 = tpu.memref_slice %arg2[%mul3A_42, %dma_start3A_46] : memref<32768x64xf32, #tpu.memory_space<hbm>> -> memref<128x64xf32, #tpu.memory_space<hbm>>
      %dma_start3A_48 = tpu.memref_slice %run_scoped3A_7[%rem3A_40] : memref<2x!tpu.dma_semaphore, #tpu.memory_space<semaphore_mem>> -> memref<1x!tpu.dma_semaphore, #tpu.memory_space<semaphore_mem>>
      %dma_start3A_49 = tpu.memref_squeeze %dma_start3A_48 : memref<1x!tpu.dma_semaphore, #tpu.memory_space<semaphore_mem>> -> memref<!tpu.dma_semaphore, #tpu.memory_space<semaphore_mem>>
      %dma_start3A_50 = arith.constant 0 : i32
      %dma_start3A_51 = arith.constant 0 : i32
      %dma_start3A_52 = tpu.memref_slice %run_scoped3A[%rem3A_40, %dma_start3A_50, %dma_start3A_51] : memref<2x128x64xf32, #tpu.memory_space<vmem>> -> memref<1x128x64xf32, #tpu.memory_space<vmem>>
      %dma_start3A_53 = tpu.memref_squeeze %dma_start3A_52 : memref<1x128x64xf32, #tpu.memory_space<vmem>> -> memref<128x64xf32, #tpu.memory_space<vmem>>
      %dma_start3A_54 = arith.constant 0 : i32
      %dma_start3A_55 = tpu.memref_slice %arg2[%mul3A_42, %dma_start3A_54] : memref<32768x64xf32, #tpu.memory_space<hbm>> -> memref<128x64xf32, #tpu.memory_space<hbm>>
      tpu.enqueue_dma source(%dma_start3A_55 : memref<128x64xf32, #tpu.memory_space<hbm>>) target(%dma_start3A_53 : memref<128x64xf32, #tpu.memory_space<vmem>>) target_semaphore(%dma_start3A_49 : memref<!tpu.dma_semaphore, #tpu.memory_space<semaphore_mem>>)
      %add3A_56 = arith.constant 0 : i32
      %add3A_57 = arith.constant 1 : i32
      %add3A_58 = arith.addi %add3A_56, %add3A_57 : i32
      %select_n3A_59 = arith.constant true
      %select_n3A_60 = arith.constant 0 : i32
      %select_n3A_61 = arith.select %select_n3A_59, %add3A_58, %select_n3A_60 : i32
      "tpu.trace_stop"() : () -> ()
      %scan3A = arith.constant 0 : i32
      %scan3A_62 = arith.constant 0 : i32
      %scan3A_63 = arith.constant 0 : i32
      %scan3A_64 = arith.constant 0 : i32
      %scan3A_65 = arith.constant 0 : i32
      %scan3A_66 = arith.constant 0 : i32
      %scan3A_67 = arith.constant 0 : i32
      %scan3A_68 = arith.constant 8 : i32
      %scan3A_69 = arith.addi %scan3A_67, %scan3A_68 : i32
      %scan3A_70 = arith.constant 1 : i32
      %scan3A_71:7 = scf.for %scan3A_143 = %scan3A_67 to %scan3A_69 step %scan3A_70 iter_args(%scan3A_144 = %select_n3A_61, %scan3A_145 = %scan3A, %scan3A_146 = %scan3A_62, %scan3A_147 = %scan3A_63, %scan3A_148 = %scan3A_64, %scan3A_149 = %scan3A_65, %scan3A_150 = %scan3A_66) -> (i32, i32, i32, i32, i32, i32, i32)  : i32 {
        %eq3A_151 = arith.constant 0 : i32
        %eq3A_152 = arith.cmpi eq, %scan3A_143, %eq3A_151 : i32
        %eq3A_153 = arith.constant 7 : i32
        %eq3A_154 = arith.cmpi eq, %scan3A_143, %eq3A_153 : i32
        %add3A_155 = arith.addi %scan3A_150, %mul3A_6 : i32
        %sub3A_156 = arith.constant 1 : i32
        %sub3A_157 = arith.subi %scan3A_150, %sub3A_156 : i32
        %select_n3A_158 = arith.constant true
        %select_n3A_159 = arith.select %select_n3A_158, %sub3A_157, %scan3A_150 : i32
        %eq3A_160 = arith.constant -1 : i32
        %eq3A_161 = arith.cmpi eq, %select_n3A_159, %eq3A_160 : i32
        %select_n3A_162 = arith.constant 7 : i32
        %select_n3A_163 = arith.select %eq3A_161, %select_n3A_162, %select_n3A_159 : i32
        %add3A_164 = arith.addi %select_n3A_163, %mul3A_6 : i32
        %add3A_165 = arith.constant 1 : i32
        %add3A_166 = arith.addi %scan3A_150, %add3A_165 : i32
        %select_n3A_167 = arith.constant true
        %select_n3A_168 = arith.select %select_n3A_167, %add3A_166, %scan3A_150 : i32
        %eq3A_169 = arith.constant 8 : i32
        %eq3A_170 = arith.cmpi eq, %select_n3A_168, %eq3A_169 : i32
        %select_n3A_171 = arith.constant 0 : i32
        %select_n3A_172 = arith.select %eq3A_170, %select_n3A_171, %select_n3A_168 : i32
        %add3A_173 = arith.addi %select_n3A_172, %mul3A_6 : i32
        %add3A_174 = arith.constant 1 : i32
        %add3A_175 = arith.addi %select_n3A_172, %add3A_174 : i32
        %select_n3A_176 = arith.constant true
        %select_n3A_177 = arith.select %select_n3A_176, %add3A_175, %select_n3A_172 : i32
        %eq3A_178 = arith.constant 8 : i32
        %eq3A_179 = arith.cmpi eq, %select_n3A_177, %eq3A_178 : i32
        %select_n3A_180 = arith.constant 0 : i32
        %select_n3A_181 = arith.select %eq3A_179, %select_n3A_180, %select_n3A_177 : i32
        %add3A_182 = arith.addi %select_n3A_181, %mul3A_6 : i32
        %ne3A = arith.cmpi ne, %add3A_155, %add3A_173 : i32
        %or3A = arith.constant false
        %or3A_183 = arith.ori %or3A, %ne3A : i1
        %or3A_184 = arith.constant false
        %or3A_185 = arith.ori %or3A_183, %or3A_184 : i1
        %ge3A = arith.constant 7 : i32
        %ge3A_186 = arith.cmpi sge, %scan3A_143, %ge3A : i32
        %not3A = arith.constant true
        %not3A_187 = arith.xori %ge3A_186, %not3A : i1
        %and3A = arith.andi %or3A_185, %not3A_187 : i1
        %convert_element_type3A = arith.extui %and3A : i1 to i32
        %cond3A = arith.constant 0 : i32
        %cond3A_188 = arith.cmpi ne, %convert_element_type3A, %cond3A : i32
        scf.if %cond3A_188 {
          "tpu.trace_start"() <{level = 10 : i32, message = "ep_copy_in"}> : () -> ()
          %rem3A_362 = arith.constant 2 : i32
          %rem3A_363 = arith.remui %scan3A_144, %rem3A_362 : i32
          %mul3A_364 = arith.constant 128 : i32
          %mul3A_365 = arith.muli %mul3A_364, %add3A_173 : i32
          %dma_start3A_366 = arith.constant 0 : i32
          %dma_start3A_367 = arith.constant 0 : i32
          %dma_start3A_368 = tpu.memref_slice %run_scoped3A[%rem3A_363, %dma_start3A_366, %dma_start3A_367] : memref<2x128x64xf32, #tpu.memory_space<vmem>> -> memref<1x128x64xf32, #tpu.memory_space<vmem>>
          %dma_start3A_369 = tpu.memref_squeeze %dma_start3A_368 : memref<1x128x64xf32, #tpu.memory_space<vmem>> -> memref<128x64xf32, #tpu.memory_space<vmem>>
          %dma_start3A_370 = arith.constant 0 : i32
          %dma_start3A_371 = tpu.memref_slice %arg2[%mul3A_365, %dma_start3A_370] : memref<32768x64xf32, #tpu.memory_space<hbm>> -> memref<128x64xf32, #tpu.memory_space<hbm>>
          %dma_start3A_372 = tpu.memref_slice %run_scoped3A_7[%rem3A_363] : memref<2x!tpu.dma_semaphore, #tpu.memory_space<semaphore_mem>> -> memref<1x!tpu.dma_semaphore, #tpu.memory_space<semaphore_mem>>
          %dma_start3A_373 = tpu.memref_squeeze %dma_start3A_372 : memref<1x!tpu.dma_semaphore, #tpu.memory_space<semaphore_mem>> -> memref<!tpu.dma_semaphore, #tpu.memory_space<semaphore_mem>>
          %dma_start3A_374 = arith.constant 0 : i32
          %dma_start3A_375 = arith.constant 0 : i32
          %dma_start3A_376 = tpu.memref_slice %run_scoped3A[%rem3A_363, %dma_start3A_374, %dma_start3A_375] : memref<2x128x64xf32, #tpu.memory_space<vmem>> -> memref<1x128x64xf32, #tpu.memory_space<vmem>>
          %dma_start3A_377 = tpu.memref_squeeze %dma_start3A_376 : memref<1x128x64xf32, #tpu.memory_space<vmem>> -> memref<128x64xf32, #tpu.memory_space<vmem>>
          %dma_start3A_378 = arith.constant 0 : i32
          %dma_start3A_379 = tpu.memref_slice %arg2[%mul3A_365, %dma_start3A_378] : memref<32768x64xf32, #tpu.memory_space<hbm>> -> memref<128x64xf32, #tpu.memory_space<hbm>>
          tpu.enqueue_dma source(%dma_start3A_379 : memref<128x64xf32, #tpu.memory_space<hbm>>) target(%dma_start3A_377 : memref<128x64xf32, #tpu.memory_space<vmem>>) target_semaphore(%dma_start3A_373 : memref<!tpu.dma_semaphore, #tpu.memory_space<semaphore_mem>>)
          "tpu.trace_stop"() : () -> ()
        } else {
        }
        %and3A_189 = arith.constant true
        %and3A_190 = arith.andi %and3A, %and3A_189 : i1
        %add3A_191 = arith.constant 1 : i32
        %add3A_192 = arith.addi %scan3A_144, %add3A_191 : i32
        %select_n3A_193 = arith.select %and3A_190, %add3A_192, %scan3A_144 : i32
        %ne3A_194 = arith.cmpi ne, %add3A_155, %add3A_173 : i32
        %or3A_195 = arith.constant false
        %or3A_196 = arith.ori %or3A_195, %ne3A_194 : i1
        %or3A_197 = arith.constant false
        %or3A_198 = arith.ori %or3A_196, %or3A_197 : i1
        %ge3A_199 = arith.constant 7 : i32
        %ge3A_200 = arith.cmpi sge, %scan3A_143, %ge3A_199 : i32
        %not3A_201 = arith.constant true
        %not3A_202 = arith.xori %ge3A_200, %not3A_201 : i1
        %and3A_203 = arith.andi %or3A_198, %not3A_202 : i1
        %ne3A_204 = arith.cmpi ne, %add3A_155, %add3A_173 : i32
        %or3A_205 = arith.constant false
        %or3A_206 = arith.ori %or3A_205, %ne3A_204 : i1
        %or3A_207 = arith.constant false
        %or3A_208 = arith.ori %or3A_206, %or3A_207 : i1
        %ge3A_209 = arith.constant 7 : i32
        %ge3A_210 = arith.cmpi sge, %scan3A_143, %ge3A_209 : i32
        %not3A_211 = arith.constant true
        %not3A_212 = arith.xori %ge3A_210, %not3A_211 : i1
        %and3A_213 = arith.andi %or3A_208, %not3A_212 : i1
        %ne3A_214 = arith.cmpi ne, %add3A_155, %add3A_164 : i32
        %or3A_215 = arith.constant false
        %or3A_216 = arith.ori %or3A_215, %ne3A_214 : i1
        %or3A_217 = arith.constant false
        %or3A_218 = arith.ori %or3A_216, %or3A_217 : i1
        %or3A_219 = arith.ori %or3A_218, %eq3A_152 : i1
        %convert_element_type3A_220 = arith.extui %or3A_219 : i1 to i32
        %cond3A_221 = arith.constant 0 : i32
        %cond3A_222 = arith.cmpi ne, %convert_element_type3A_220, %cond3A_221 : i32
        scf.if %cond3A_222 {
          "tpu.trace_start"() <{level = 10 : i32, message = "ep_wait_in"}> : () -> ()
          %mul3A_362 = arith.constant 128 : i32
          %mul3A_363 = arith.muli %mul3A_362, %add3A_155 : i32
          %rem3A_364 = arith.constant 2 : i32
          %rem3A_365 = arith.remui %scan3A_145, %rem3A_364 : i32
          %dma_wait3A_366 = arith.constant 0 : i32
          %dma_wait3A_367 = arith.constant 0 : i32
          %dma_wait3A_368 = tpu.memref_slice %run_scoped3A[%rem3A_365, %dma_wait3A_366, %dma_wait3A_367] : memref<2x128x64xf32, #tpu.memory_space<vmem>> -> memref<1x128x64xf32, #tpu.memory_space<vmem>>
          %dma_wait3A_369 = tpu.memref_squeeze %dma_wait3A_368 : memref<1x128x64xf32, #tpu.memory_space<vmem>> -> memref<128x64xf32, #tpu.memory_space<vmem>>
          %dma_wait3A_370 = arith.constant 0 : i32
          %dma_wait3A_371 = tpu.memref_slice %arg2[%mul3A_363, %dma_wait3A_370] : memref<32768x64xf32, #tpu.memory_space<hbm>> -> memref<128x64xf32, #tpu.memory_space<hbm>>
          %dma_wait3A_372 = tpu.memref_slice %run_scoped3A_7[%rem3A_365] : memref<2x!tpu.dma_semaphore, #tpu.memory_space<semaphore_mem>> -> memref<1x!tpu.dma_semaphore, #tpu.memory_space<semaphore_mem>>
          %dma_wait3A_373 = tpu.memref_squeeze %dma_wait3A_372 : memref<1x!tpu.dma_semaphore, #tpu.memory_space<semaphore_mem>> -> memref<!tpu.dma_semaphore, #tpu.memory_space<semaphore_mem>>
          %dma_wait3A_374 = arith.constant 0 : i32
          %dma_wait3A_375 = arith.constant 0 : i32
          %dma_wait3A_376 = tpu.memref_slice %run_scoped3A[%rem3A_365, %dma_wait3A_374, %dma_wait3A_375] : memref<2x128x64xf32, #tpu.memory_space<vmem>> -> memref<1x128x64xf32, #tpu.memory_space<vmem>>
          %dma_wait3A_377 = tpu.memref_squeeze %dma_wait3A_376 : memref<1x128x64xf32, #tpu.memory_space<vmem>> -> memref<128x64xf32, #tpu.memory_space<vmem>>
          %dma_wait3A_378 = arith.constant 0 : i32
          %dma_wait3A_379 = tpu.memref_slice %arg2[%mul3A_363, %dma_wait3A_378] : memref<32768x64xf32, #tpu.memory_space<hbm>> -> memref<128x64xf32, #tpu.memory_space<hbm>>
          tpu.wait_dma2 semaphore(%dma_wait3A_373 : memref<!tpu.dma_semaphore, #tpu.memory_space<semaphore_mem>>) src(%dma_wait3A_379 : memref<128x64xf32, #tpu.memory_space<hbm>>) dst(%dma_wait3A_377 : memref<128x64xf32, #tpu.memory_space<vmem>>)
          "tpu.trace_stop"() : () -> ()
        } else {
        }
        %ne3A_223 = arith.cmpi ne, %add3A_155, %add3A_164 : i32
        %or3A_224 = arith.constant false
        %or3A_225 = arith.ori %or3A_224, %ne3A_223 : i1
        %or3A_226 = arith.constant false
        %or3A_227 = arith.ori %or3A_225, %or3A_226 : i1
        %or3A_228 = arith.ori %or3A_227, %eq3A_152 : i1
        %convert_element_type3A_229 = arith.extui %or3A_228 : i1 to i32
        %cond3A_230 = arith.constant 0 : i32
        %cond3A_231 = arith.cmpi ne, %convert_element_type3A_229, %cond3A_230 : i32
        scf.if %cond3A_231 {
        } else {
        }
        %ne3A_232 = arith.cmpi ne, %add3A_155, %add3A_164 : i32
        %or3A_233 = arith.constant false
        %or3A_234 = arith.ori %or3A_233, %ne3A_232 : i1
        %or3A_235 = arith.constant false
        %or3A_236 = arith.ori %or3A_234, %or3A_235 : i1
        %or3A_237 = arith.ori %or3A_236, %eq3A_152 : i1
        %convert_element_type3A_238 = arith.extui %or3A_237 : i1 to i32
        %cond3A_239 = arith.constant 0 : i32
        %cond3A_240 = arith.cmpi ne, %convert_element_type3A_238, %cond3A_239 : i32
        scf.if %cond3A_240 {
        } else {
        }
        %rem3A_241 = arith.constant 2 : i32
        %rem3A_242 = arith.remui %scan3A_145, %rem3A_241 : i32
        %rem3A_243 = arith.constant 2 : i32
        %rem3A_244 = arith.remui %scan3A_146, %rem3A_243 : i32
        %rem3A_245 = arith.constant 2 : i32
        %rem3A_246 = arith.remui %scan3A_148, %rem3A_245 : i32
        "tpu.trace_start"() <{level = 10 : i32, message = "ep_run_kernel"}> : () -> ()
        %iota3A = tpu.iota {dimensions = array<i32: 0>} : vector<16xi32>
        %add3A_247 = arith.constant 0 : i32
        %add3A_248 = vector.broadcast %add3A_247 : i32 to vector<16xi32>
        %add3A_249 = arith.addi %iota3A, %add3A_248 : vector<16xi32>
        %add3A_250 = arith.constant 16 : i32
        %add3A_251 = vector.broadcast %add3A_250 : i32 to vector<16xi32>
        %add3A_252 = arith.addi %iota3A, %add3A_251 : vector<16xi32>
        %add3A_253 = arith.constant 32 : i32
        %add3A_254 = vector.broadcast %add3A_253 : i32 to vector<16xi32>
        %add3A_255 = arith.addi %iota3A, %add3A_254 : vector<16xi32>
        %add3A_256 = arith.constant 48 : i32
        %add3A_257 = vector.broadcast %add3A_256 : i32 to vector<16xi32>
        %add3A_258 = arith.addi %iota3A, %add3A_257 : vector<16xi32>
        %parallel_loop3A = arith.constant 0 : i32
        %parallel_loop3A_259 = arith.constant 128 : i32
        %parallel_loop3A_260 = arith.constant 1 : i32
        scf.for %parallel_loop3A_362 = %parallel_loop3A to %parallel_loop3A_259 step %parallel_loop3A_260  : i32 {
          %parallel_loop3A_363 = arith.constant 0 : i32
          %parallel_loop3A_364 = arith.constant 0 : i32
          %parallel_loop3A_365 = tpu.memref_slice %run_scoped3A[%rem3A_242, %parallel_loop3A_363, %parallel_loop3A_364] : memref<2x128x64xf32, #tpu.memory_space<vmem>> -> memref<1x128x64xf32, #tpu.memory_space<vmem>>
          %parallel_loop3A_366 = tpu.memref_squeeze %parallel_loop3A_365 : memref<1x128x64xf32, #tpu.memory_space<vmem>> -> memref<128x64xf32, #tpu.memory_space<vmem>>
          %parallel_loop3A_367 = arith.constant 0 : i32
          %parallel_loop3A_368 = tpu.memref_slice %parallel_loop3A_366[%parallel_loop3A_362, %parallel_loop3A_367] : memref<128x64xf32, #tpu.memory_space<vmem>> -> memref<1x64xf32, #tpu.memory_space<vmem>>
          %parallel_loop3A_369 = tpu.memref_squeeze %parallel_loop3A_368 : memref<1x64xf32, #tpu.memory_space<vmem>> -> memref<64xf32, #tpu.memory_space<vmem>>
          %parallel_loop3A_370 = arith.constant 0 : index
          %parallel_loop3A_371 = tpu.vector_load %parallel_loop3A_369[%parallel_loop3A_370] {strides = array<i32>} : memref<64xf32, #tpu.memory_space<vmem>>, vector<16xf32>,
          %parallel_loop3A_372 = arith.constant 0 : i32
          %parallel_loop3A_373 = arith.constant 0 : i32
          %parallel_loop3A_374 = tpu.memref_slice %run_scoped3A[%rem3A_242, %parallel_loop3A_372, %parallel_loop3A_373] : memref<2x128x64xf32, #tpu.memory_space<vmem>> -> memref<1x128x64xf32, #tpu.memory_space<vmem>>
          %parallel_loop3A_375 = tpu.memref_squeeze %parallel_loop3A_374 : memref<1x128x64xf32, #tpu.memory_space<vmem>> -> memref<128x64xf32, #tpu.memory_space<vmem>>
          %parallel_loop3A_376 = arith.constant 0 : i32
          %parallel_loop3A_377 = tpu.memref_slice %parallel_loop3A_375[%parallel_loop3A_362, %parallel_loop3A_376] : memref<128x64xf32, #tpu.memory_space<vmem>> -> memref<1x64xf32, #tpu.memory_space<vmem>>
          %parallel_loop3A_378 = tpu.memref_squeeze %parallel_loop3A_377 : memref<1x64xf32, #tpu.memory_space<vmem>> -> memref<64xf32, #tpu.memory_space<vmem>>
          %parallel_loop3A_379 = arith.constant 16 : index
          %parallel_loop3A_380 = tpu.vector_load %parallel_loop3A_378[%parallel_loop3A_379] {strides = array<i32>} : memref<64xf32, #tpu.memory_space<vmem>>, vector<16xf32>,
          %parallel_loop3A_381 = arith.constant 0 : i32
          %parallel_loop3A_382 = arith.constant 0 : i32
          %parallel_loop3A_383 = tpu.memref_slice %run_scoped3A[%rem3A_242, %parallel_loop3A_381, %parallel_loop3A_382] : memref<2x128x64xf32, #tpu.memory_space<vmem>> -> memref<1x128x64xf32, #tpu.memory_space<vmem>>
          %parallel_loop3A_384 = tpu.memref_squeeze %parallel_loop3A_383 : memref<1x128x64xf32, #tpu.memory_space<vmem>> -> memref<128x64xf32, #tpu.memory_space<vmem>>
          %parallel_loop3A_385 = arith.constant 0 : i32
          %parallel_loop3A_386 = tpu.memref_slice %parallel_loop3A_384[%parallel_loop3A_362, %parallel_loop3A_385] : memref<128x64xf32, #tpu.memory_space<vmem>> -> memref<1x64xf32, #tpu.memory_space<vmem>>
          %parallel_loop3A_387 = tpu.memref_squeeze %parallel_loop3A_386 : memref<1x64xf32, #tpu.memory_space<vmem>> -> memref<64xf32, #tpu.memory_space<vmem>>
          %parallel_loop3A_388 = arith.constant 32 : index
          %parallel_loop3A_389 = tpu.vector_load %parallel_loop3A_387[%parallel_loop3A_388] {strides = array<i32>} : memref<64xf32, #tpu.memory_space<vmem>>, vector<16xf32>,
          %parallel_loop3A_390 = arith.constant 0 : i32
          %parallel_loop3A_391 = arith.constant 0 : i32
          %parallel_loop3A_392 = tpu.memref_slice %run_scoped3A[%rem3A_242, %parallel_loop3A_390, %parallel_loop3A_391] : memref<2x128x64xf32, #tpu.memory_space<vmem>> -> memref<1x128x64xf32, #tpu.memory_space<vmem>>
          %parallel_loop3A_393 = tpu.memref_squeeze %parallel_loop3A_392 : memref<1x128x64xf32, #tpu.memory_space<vmem>> -> memref<128x64xf32, #tpu.memory_space<vmem>>
          %parallel_loop3A_394 = arith.constant 0 : i32
          %parallel_loop3A_395 = tpu.memref_slice %parallel_loop3A_393[%parallel_loop3A_362, %parallel_loop3A_394] : memref<128x64xf32, #tpu.memory_space<vmem>> -> memref<1x64xf32, #tpu.memory_space<vmem>>
          %parallel_loop3A_396 = tpu.memref_squeeze %parallel_loop3A_395 : memref<1x64xf32, #tpu.memory_space<vmem>> -> memref<64xf32, #tpu.memory_space<vmem>>
          %parallel_loop3A_397 = arith.constant 48 : index
          %parallel_loop3A_398 = tpu.vector_load %parallel_loop3A_396[%parallel_loop3A_397] {strides = array<i32>} : memref<64xf32, #tpu.memory_space<vmem>>, vector<16xf32>,
          %parallel_loop3A_399 = arith.constant dense<true> : vector<16xi1>
          %parallel_loop3A_400, %parallel_loop3A_401, %parallel_loop3A_402 = tpu.sort %parallel_loop3A_371, %add3A_249 masked %parallel_loop3A_399 {descending = true} : (vector<16xf32>, vector<16xi32>, vector<16xi1>) -> (vector<16xi1>, vector<16xf32>, vector<16xi32>)
          %parallel_loop3A_403 = arith.constant dense<true> : vector<16xi1>
          %parallel_loop3A_404, %parallel_loop3A_405, %parallel_loop3A_406 = tpu.sort %parallel_loop3A_380, %add3A_252 masked %parallel_loop3A_403 : (vector<16xf32>, vector<16xi32>, vector<16xi1>) -> (vector<16xi1>, vector<16xf32>, vector<16xi32>)
          %parallel_loop3A_407 = arith.constant dense<true> : vector<16xi1>
          %parallel_loop3A_408, %parallel_loop3A_409, %parallel_loop3A_410 = tpu.sort %parallel_loop3A_389, %add3A_255 masked %parallel_loop3A_407 {descending = true} : (vector<16xf32>, vector<16xi32>, vector<16xi1>) -> (vector<16xi1>, vector<16xf32>, vector<16xi32>)
          %parallel_loop3A_411 = arith.constant dense<true> : vector<16xi1>
          %parallel_loop3A_412, %parallel_loop3A_413, %parallel_loop3A_414 = tpu.sort %parallel_loop3A_398, %add3A_258 masked %parallel_loop3A_411 : (vector<16xf32>, vector<16xi32>, vector<16xi1>) -> (vector<16xi1>, vector<16xf32>, vector<16xi32>)
          %parallel_loop3A_415 = arith.cmpf oge, %parallel_loop3A_401, %parallel_loop3A_405 : vector<16xf32>
          %parallel_loop3A_416 = arith.select %parallel_loop3A_415, %parallel_loop3A_401, %parallel_loop3A_405 : vector<16xi1>, vector<16xf32>
          %parallel_loop3A_417 = arith.select %parallel_loop3A_415, %parallel_loop3A_402, %parallel_loop3A_406 : vector<16xi1>, vector<16xi32>
          %parallel_loop3A_418 = arith.constant dense<true> : vector<16xi1>
          %parallel_loop3A_419, %parallel_loop3A_420, %parallel_loop3A_421 = tpu.sort %parallel_loop3A_416, %parallel_loop3A_417 masked %parallel_loop3A_418 {descending = true} : (vector<16xf32>, vector<16xi32>, vector<16xi1>) -> (vector<16xi1>, vector<16xf32>, vector<16xi32>)
          %parallel_loop3A_422 = arith.cmpf oge, %parallel_loop3A_409, %parallel_loop3A_413 : vector<16xf32>
          %parallel_loop3A_423 = arith.select %parallel_loop3A_422, %parallel_loop3A_409, %parallel_loop3A_413 : vector<16xi1>, vector<16xf32>
          %parallel_loop3A_424 = arith.select %parallel_loop3A_422, %parallel_loop3A_410, %parallel_loop3A_414 : vector<16xi1>, vector<16xi32>
          %parallel_loop3A_425 = arith.constant dense<true> : vector<16xi1>
          %parallel_loop3A_426, %parallel_loop3A_427, %parallel_loop3A_428 = tpu.sort %parallel_loop3A_423, %parallel_loop3A_424 masked %parallel_loop3A_425 : (vector<16xf32>, vector<16xi32>, vector<16xi1>) -> (vector<16xi1>, vector<16xf32>, vector<16xi32>)
          %parallel_loop3A_429 = arith.cmpf oge, %parallel_loop3A_420, %parallel_loop3A_427 : vector<16xf32>
          %parallel_loop3A_430 = arith.select %parallel_loop3A_429, %parallel_loop3A_420, %parallel_loop3A_427 : vector<16xi1>, vector<16xf32>
          %parallel_loop3A_431 = arith.select %parallel_loop3A_429, %parallel_loop3A_421, %parallel_loop3A_428 : vector<16xi1>, vector<16xi32>
          %parallel_loop3A_432 = arith.constant dense<true> : vector<16xi1>
          %parallel_loop3A_433, %parallel_loop3A_434, %parallel_loop3A_435 = tpu.sort %parallel_loop3A_430, %parallel_loop3A_431 masked %parallel_loop3A_432 {descending = true} : (vector<16xf32>, vector<16xi32>, vector<16xi1>) -> (vector<16xi1>, vector<16xf32>, vector<16xi32>)
          %parallel_loop3A_436 = math.exp %parallel_loop3A_371 : vector<16xf32>
          %parallel_loop3A_437 = math.exp %parallel_loop3A_380 : vector<16xf32>
          %parallel_loop3A_438 = arith.addf %parallel_loop3A_436, %parallel_loop3A_437 : vector<16xf32>
          %parallel_loop3A_439 = math.exp %parallel_loop3A_389 : vector<16xf32>
          %parallel_loop3A_440 = arith.addf %parallel_loop3A_438, %parallel_loop3A_439 : vector<16xf32>
          %parallel_loop3A_441 = math.exp %parallel_loop3A_398 : vector<16xf32>
          %parallel_loop3A_442 = arith.addf %parallel_loop3A_440, %parallel_loop3A_441 : vector<16xf32>
          %parallel_loop3A_443 = arith.constant true
          %parallel_loop3A_444 = vector.broadcast %parallel_loop3A_443 : i1 to vector<16xi1>
          %parallel_loop3A_445 = tpu.scan <sum>, %parallel_loop3A_442 masked %parallel_loop3A_444 : vector<16xf32>, vector<16xi1> -> vector<16xf32>
          %parallel_loop3A_446 = vector.extract %parallel_loop3A_445[15] : f32 from vector<16xf32>
          %parallel_loop3A_447 = vector.broadcast %parallel_loop3A_446 : f32 to vector<16xf32>
          %parallel_loop3A_448 = math.exp %parallel_loop3A_434 : vector<16xf32>
          %parallel_loop3A_449 = arith.divf %parallel_loop3A_448, %parallel_loop3A_447 : vector<16xf32>
          %parallel_loop3A_450 = arith.constant 0 : i32
          %parallel_loop3A_451 = arith.constant 0 : i32
          %parallel_loop3A_452 = tpu.memref_slice %run_scoped3A_8[%rem3A_244, %parallel_loop3A_450, %parallel_loop3A_451] : memref<2x128x16xf32, #tpu.memory_space<vmem>> -> memref<1x128x16xf32, #tpu.memory_space<vmem>>
          %parallel_loop3A_453 = tpu.memref_squeeze %parallel_loop3A_452 : memref<1x128x16xf32, #tpu.memory_space<vmem>> -> memref<128x16xf32, #tpu.memory_space<vmem>>
          %parallel_loop3A_454 = arith.index_cast %parallel_loop3A_362 : i32 to index
          %parallel_loop3A_455 = arith.constant 0 : index
          %parallel_loop3A_456 = tpu.vector_load %parallel_loop3A_453[%parallel_loop3A_454, %parallel_loop3A_455] {strides = array<i32>} : memref<128x16xf32, #tpu.memory_space<vmem>>, vector<16xf32>,
          tpu.vector_store %parallel_loop3A_453[%parallel_loop3A_454, %parallel_loop3A_455], %parallel_loop3A_449 {strides = array<i32>} : memref<128x16xf32, #tpu.memory_space<vmem>>, vector<16xf32>,
          %parallel_loop3A_457 = arith.constant 0 : i32
          %parallel_loop3A_458 = arith.constant 0 : i32
          %parallel_loop3A_459 = tpu.memref_slice %run_scoped3A_10[%rem3A_246, %parallel_loop3A_457, %parallel_loop3A_458] : memref<2x128x16xi32, #tpu.memory_space<vmem>> -> memref<1x128x16xi32, #tpu.memory_space<vmem>>
          %parallel_loop3A_460 = tpu.memref_squeeze %parallel_loop3A_459 : memref<1x128x16xi32, #tpu.memory_space<vmem>> -> memref<128x16xi32, #tpu.memory_space<vmem>>
          %parallel_loop3A_461 = arith.index_cast %parallel_loop3A_362 : i32 to index
          %parallel_loop3A_462 = arith.constant 0 : index
          %parallel_loop3A_463 = tpu.vector_load %parallel_loop3A_460[%parallel_loop3A_461, %parallel_loop3A_462] {strides = array<i32>} : memref<128x16xi32, #tpu.memory_space<vmem>>, vector<16xi32>,
          tpu.vector_store %parallel_loop3A_460[%parallel_loop3A_461, %parallel_loop3A_462], %parallel_loop3A_435 {strides = array<i32>} : memref<128x16xi32, #tpu.memory_space<vmem>>, vector<16xi32>,
        } {sc.loop_unroll_factor = 2 : i64, sc.parallel_access}
        "tpu.trace_stop"() : () -> ()
        %ne3A_261 = arith.cmpi ne, %add3A_155, %add3A_173 : i32
        %or3A_262 = arith.constant false
        %or3A_263 = arith.ori %or3A_262, %ne3A_261 : i1
        %or3A_264 = arith.constant false
        %or3A_265 = arith.ori %or3A_263, %or3A_264 : i1
        %or3A_266 = arith.ori %or3A_265, %eq3A_154 : i1
        %convert_element_type3A_267 = arith.extui %or3A_266 : i1 to i32
        %cond3A_268 = arith.constant 0 : i32
        %cond3A_269 = arith.cmpi ne, %convert_element_type3A_267, %cond3A_268 : i32
        scf.if %cond3A_269 {
        } else {
        }
        %and3A_270 = arith.constant false
        %and3A_271 = arith.andi %or3A_266, %and3A_270 : i1
        %ne3A_272 = arith.cmpi ne, %add3A_155, %add3A_173 : i32
        %or3A_273 = arith.constant false
        %or3A_274 = arith.ori %or3A_273, %ne3A_272 : i1
        %or3A_275 = arith.constant false
        %or3A_276 = arith.ori %or3A_274, %or3A_275 : i1
        %or3A_277 = arith.ori %or3A_276, %eq3A_154 : i1
        %convert_element_type3A_278 = arith.extui %or3A_277 : i1 to i32
        %cond3A_279 = arith.constant 0 : i32
        %cond3A_280 = arith.cmpi ne, %convert_element_type3A_278, %cond3A_279 : i32
        scf.if %cond3A_280 {
          "tpu.trace_start"() <{level = 10 : i32, message = "ep_copy_out"}> : () -> ()
          %rem3A_362 = arith.constant 2 : i32
          %rem3A_363 = arith.remui %scan3A_146, %rem3A_362 : i32
          %mul3A_364 = arith.constant 128 : i32
          %mul3A_365 = arith.muli %mul3A_364, %add3A_155 : i32
          %dma_start3A_366 = arith.constant 0 : i32
          %dma_start3A_367 = arith.constant 0 : i32
          %dma_start3A_368 = tpu.memref_slice %run_scoped3A_8[%rem3A_363, %dma_start3A_366, %dma_start3A_367] : memref<2x128x16xf32, #tpu.memory_space<vmem>> -> memref<1x128x16xf32, #tpu.memory_space<vmem>>
          %dma_start3A_369 = tpu.memref_squeeze %dma_start3A_368 : memref<1x128x16xf32, #tpu.memory_space<vmem>> -> memref<128x16xf32, #tpu.memory_space<vmem>>
          %dma_start3A_370 = arith.constant 0 : i32
          %dma_start3A_371 = tpu.memref_slice %arg3[%mul3A_365, %dma_start3A_370] : memref<32768x128xf32, #tpu.memory_space<hbm>> -> memref<128x16xf32, #tpu.memory_space<hbm>>
          %dma_start3A_372 = tpu.memref_slice %run_scoped3A_9[%rem3A_363] : memref<2x!tpu.dma_semaphore, #tpu.memory_space<semaphore_mem>> -> memref<1x!tpu.dma_semaphore, #tpu.memory_space<semaphore_mem>>
          %dma_start3A_373 = tpu.memref_squeeze %dma_start3A_372 : memref<1x!tpu.dma_semaphore, #tpu.memory_space<semaphore_mem>> -> memref<!tpu.dma_semaphore, #tpu.memory_space<semaphore_mem>>
          %dma_start3A_374 = arith.constant 0 : i32
          %dma_start3A_375 = tpu.memref_slice %arg3[%mul3A_365, %dma_start3A_374] : memref<32768x128xf32, #tpu.memory_space<hbm>> -> memref<128x16xf32, #tpu.memory_space<hbm>>
          %dma_start3A_376 = arith.constant 0 : i32
          %dma_start3A_377 = arith.constant 0 : i32
          %dma_start3A_378 = tpu.memref_slice %run_scoped3A_8[%rem3A_363, %dma_start3A_376, %dma_start3A_377] : memref<2x128x16xf32, #tpu.memory_space<vmem>> -> memref<1x128x16xf32, #tpu.memory_space<vmem>>
          %dma_start3A_379 = tpu.memref_squeeze %dma_start3A_378 : memref<1x128x16xf32, #tpu.memory_space<vmem>> -> memref<128x16xf32, #tpu.memory_space<vmem>>
          tpu.enqueue_dma source(%dma_start3A_379 : memref<128x16xf32, #tpu.memory_space<vmem>>) target(%dma_start3A_375 : memref<128x16xf32, #tpu.memory_space<hbm>>) target_semaphore(%dma_start3A_373 : memref<!tpu.dma_semaphore, #tpu.memory_space<semaphore_mem>>)
          "tpu.trace_stop"() : () -> ()
        } else {
        }
        %and3A_281 = arith.constant true
        %and3A_282 = arith.andi %or3A_277, %and3A_281 : i1
        %add3A_283 = arith.constant 1 : i32
        %add3A_284 = arith.addi %scan3A_146, %add3A_283 : i32
        %select_n3A_285 = arith.select %and3A_282, %add3A_284, %scan3A_146 : i32
        %ne3A_286 = arith.cmpi ne, %add3A_155, %add3A_173 : i32
        %or3A_287 = arith.constant false
        %or3A_288 = arith.ori %or3A_287, %ne3A_286 : i1
        %or3A_289 = arith.constant false
        %or3A_290 = arith.ori %or3A_288, %or3A_289 : i1
        %or3A_291 = arith.ori %or3A_290, %eq3A_154 : i1
        %convert_element_type3A_292 = arith.extui %or3A_291 : i1 to i32
        %cond3A_293 = arith.constant 0 : i32
        %cond3A_294 = arith.cmpi ne, %convert_element_type3A_292, %cond3A_293 : i32
        scf.if %cond3A_294 {
          "tpu.trace_start"() <{level = 10 : i32, message = "ep_copy_out"}> : () -> ()
          %rem3A_362 = arith.constant 2 : i32
          %rem3A_363 = arith.remui %scan3A_148, %rem3A_362 : i32
          %mul3A_364 = arith.constant 128 : i32
          %mul3A_365 = arith.muli %mul3A_364, %add3A_155 : i32
          %dma_start3A_366 = arith.constant 0 : i32
          %dma_start3A_367 = arith.constant 0 : i32
          %dma_start3A_368 = tpu.memref_slice %run_scoped3A_10[%rem3A_363, %dma_start3A_366, %dma_start3A_367] : memref<2x128x16xi32, #tpu.memory_space<vmem>> -> memref<1x128x16xi32, #tpu.memory_space<vmem>>
          %dma_start3A_369 = tpu.memref_squeeze %dma_start3A_368 : memref<1x128x16xi32, #tpu.memory_space<vmem>> -> memref<128x16xi32, #tpu.memory_space<vmem>>
          %dma_start3A_370 = arith.constant 0 : i32
          %dma_start3A_371 = tpu.memref_slice %arg4[%mul3A_365, %dma_start3A_370] : memref<32768x128xi32, #tpu.memory_space<hbm>> -> memref<128x16xi32, #tpu.memory_space<hbm>>
          %dma_start3A_372 = tpu.memref_slice %run_scoped3A_11[%rem3A_363] : memref<2x!tpu.dma_semaphore, #tpu.memory_space<semaphore_mem>> -> memref<1x!tpu.dma_semaphore, #tpu.memory_space<semaphore_mem>>
          %dma_start3A_373 = tpu.memref_squeeze %dma_start3A_372 : memref<1x!tpu.dma_semaphore, #tpu.memory_space<semaphore_mem>> -> memref<!tpu.dma_semaphore, #tpu.memory_space<semaphore_mem>>
          %dma_start3A_374 = arith.constant 0 : i32
          %dma_start3A_375 = tpu.memref_slice %arg4[%mul3A_365, %dma_start3A_374] : memref<32768x128xi32, #tpu.memory_space<hbm>> -> memref<128x16xi32, #tpu.memory_space<hbm>>
          %dma_start3A_376 = arith.constant 0 : i32
          %dma_start3A_377 = arith.constant 0 : i32
          %dma_start3A_378 = tpu.memref_slice %run_scoped3A_10[%rem3A_363, %dma_start3A_376, %dma_start3A_377] : memref<2x128x16xi32, #tpu.memory_space<vmem>> -> memref<1x128x16xi32, #tpu.memory_space<vmem>>
          %dma_start3A_379 = tpu.memref_squeeze %dma_start3A_378 : memref<1x128x16xi32, #tpu.memory_space<vmem>> -> memref<128x16xi32, #tpu.memory_space<vmem>>
          tpu.enqueue_dma source(%dma_start3A_379 : memref<128x16xi32, #tpu.memory_space<vmem>>) target(%dma_start3A_375 : memref<128x16xi32, #tpu.memory_space<hbm>>) target_semaphore(%dma_start3A_373 : memref<!tpu.dma_semaphore, #tpu.memory_space<semaphore_mem>>)
          "tpu.trace_stop"() : () -> ()
        } else {
        }
        %and3A_295 = arith.constant true
        %and3A_296 = arith.andi %or3A_291, %and3A_295 : i1
        %add3A_297 = arith.constant 1 : i32
        %add3A_298 = arith.addi %scan3A_148, %add3A_297 : i32
        %select_n3A_299 = arith.select %and3A_296, %add3A_298, %scan3A_148 : i32
        %ne3A_300 = arith.cmpi ne, %add3A_155, %add3A_164 : i32
        %or3A_301 = arith.constant false
        %or3A_302 = arith.ori %or3A_301, %ne3A_300 : i1
        %or3A_303 = arith.constant false
        %or3A_304 = arith.ori %or3A_302, %or3A_303 : i1
        %not3A_305 = arith.constant true
        %not3A_306 = arith.xori %eq3A_152, %not3A_305 : i1
        %and3A_307 = arith.andi %or3A_304, %not3A_306 : i1
        %convert_element_type3A_308 = arith.extui %and3A_307 : i1 to i32
        %cond3A_309 = arith.constant 0 : i32
        %cond3A_310 = arith.cmpi ne, %convert_element_type3A_308, %cond3A_309 : i32
        scf.if %cond3A_310 {
        } else {
        }
        %and3A_311 = arith.constant false
        %and3A_312 = arith.andi %and3A_307, %and3A_311 : i1
        %ne3A_313 = arith.cmpi ne, %add3A_155, %add3A_164 : i32
        %or3A_314 = arith.constant false
        %or3A_315 = arith.ori %or3A_314, %ne3A_313 : i1
        %or3A_316 = arith.constant false
        %or3A_317 = arith.ori %or3A_315, %or3A_316 : i1
        %not3A_318 = arith.constant true
        %not3A_319 = arith.xori %eq3A_152, %not3A_318 : i1
        %and3A_320 = arith.andi %or3A_317, %not3A_319 : i1
        %convert_element_type3A_321 = arith.extui %and3A_320 : i1 to i32
        %cond3A_322 = arith.constant 0 : i32
        %cond3A_323 = arith.cmpi ne, %convert_element_type3A_321, %cond3A_322 : i32
        scf.if %cond3A_323 {
          "tpu.trace_start"() <{level = 10 : i32, message = "ep_wait_out"}> : () -> ()
          %rem3A_362 = arith.constant 2 : i32
          %rem3A_363 = arith.remui %scan3A_147, %rem3A_362 : i32
          %mul3A_364 = arith.constant 128 : i32
          %mul3A_365 = arith.muli %mul3A_364, %add3A_164 : i32
          %dma_wait3A_366 = arith.constant 0 : i32
          %dma_wait3A_367 = arith.constant 0 : i32
          %dma_wait3A_368 = tpu.memref_slice %run_scoped3A_8[%rem3A_363, %dma_wait3A_366, %dma_wait3A_367] : memref<2x128x16xf32, #tpu.memory_space<vmem>> -> memref<1x128x16xf32, #tpu.memory_space<vmem>>
          %dma_wait3A_369 = tpu.memref_squeeze %dma_wait3A_368 : memref<1x128x16xf32, #tpu.memory_space<vmem>> -> memref<128x16xf32, #tpu.memory_space<vmem>>
          %dma_wait3A_370 = arith.constant 0 : i32
          %dma_wait3A_371 = tpu.memref_slice %arg3[%mul3A_365, %dma_wait3A_370] : memref<32768x128xf32, #tpu.memory_space<hbm>> -> memref<128x16xf32, #tpu.memory_space<hbm>>
          %dma_wait3A_372 = tpu.memref_slice %run_scoped3A_9[%rem3A_363] : memref<2x!tpu.dma_semaphore, #tpu.memory_space<semaphore_mem>> -> memref<1x!tpu.dma_semaphore, #tpu.memory_space<semaphore_mem>>
          %dma_wait3A_373 = tpu.memref_squeeze %dma_wait3A_372 : memref<1x!tpu.dma_semaphore, #tpu.memory_space<semaphore_mem>> -> memref<!tpu.dma_semaphore, #tpu.memory_space<semaphore_mem>>
          %dma_wait3A_374 = arith.constant 0 : i32
          %dma_wait3A_375 = tpu.memref_slice %arg3[%mul3A_365, %dma_wait3A_374] : memref<32768x128xf32, #tpu.memory_space<hbm>> -> memref<128x16xf32, #tpu.memory_space<hbm>>
          %dma_wait3A_376 = arith.constant 0 : i32
          %dma_wait3A_377 = arith.constant 0 : i32
          %dma_wait3A_378 = tpu.memref_slice %run_scoped3A_8[%rem3A_363, %dma_wait3A_376, %dma_wait3A_377] : memref<2x128x16xf32, #tpu.memory_space<vmem>> -> memref<1x128x16xf32, #tpu.memory_space<vmem>>
          %dma_wait3A_379 = tpu.memref_squeeze %dma_wait3A_378 : memref<1x128x16xf32, #tpu.memory_space<vmem>> -> memref<128x16xf32, #tpu.memory_space<vmem>>
          tpu.wait_dma2 semaphore(%dma_wait3A_373 : memref<!tpu.dma_semaphore, #tpu.memory_space<semaphore_mem>>) src(%dma_wait3A_379 : memref<128x16xf32, #tpu.memory_space<vmem>>) dst(%dma_wait3A_375 : memref<128x16xf32, #tpu.memory_space<hbm>>)
          "tpu.trace_stop"() : () -> ()
        } else {
        }
        %and3A_324 = arith.constant true
        %and3A_325 = arith.andi %and3A_320, %and3A_324 : i1
        %add3A_326 = arith.constant 1 : i32
        %add3A_327 = arith.addi %scan3A_147, %add3A_326 : i32
        %select_n3A_328 = arith.select %and3A_325, %add3A_327, %scan3A_147 : i32
        %ne3A_329 = arith.cmpi ne, %add3A_155, %add3A_164 : i32
        %or3A_330 = arith.constant false
        %or3A_331 = arith.ori %or3A_330, %ne3A_329 : i1
        %or3A_332 = arith.constant false
        %or3A_333 = arith.ori %or3A_331, %or3A_332 : i1
        %not3A_334 = arith.constant true
        %not3A_335 = arith.xori %eq3A_152, %not3A_334 : i1
        %and3A_336 = arith.andi %or3A_333, %not3A_335 : i1
        %convert_element_type3A_337 = arith.extui %and3A_336 : i1 to i32
        %cond3A_338 = arith.constant 0 : i32
        %cond3A_339 = arith.cmpi ne, %convert_element_type3A_337, %cond3A_338 : i32
        scf.if %cond3A_339 {
          "tpu.trace_start"() <{level = 10 : i32, message = "ep_wait_out"}> : () -> ()
          %rem3A_362 = arith.constant 2 : i32
          %rem3A_363 = arith.remui %scan3A_149, %rem3A_362 : i32
          %mul3A_364 = arith.constant 128 : i32
          %mul3A_365 = arith.muli %mul3A_364, %add3A_164 : i32
          %dma_wait3A_366 = arith.constant 0 : i32
          %dma_wait3A_367 = arith.constant 0 : i32
          %dma_wait3A_368 = tpu.memref_slice %run_scoped3A_10[%rem3A_363, %dma_wait3A_366, %dma_wait3A_367] : memref<2x128x16xi32, #tpu.memory_space<vmem>> -> memref<1x128x16xi32, #tpu.memory_space<vmem>>
          %dma_wait3A_369 = tpu.memref_squeeze %dma_wait3A_368 : memref<1x128x16xi32, #tpu.memory_space<vmem>> -> memref<128x16xi32, #tpu.memory_space<vmem>>
          %dma_wait3A_370 = arith.constant 0 : i32
          %dma_wait3A_371 = tpu.memref_slice %arg4[%mul3A_365, %dma_wait3A_370] : memref<32768x128xi32, #tpu.memory_space<hbm>> -> memref<128x16xi32, #tpu.memory_space<hbm>>
          %dma_wait3A_372 = tpu.memref_slice %run_scoped3A_11[%rem3A_363] : memref<2x!tpu.dma_semaphore, #tpu.memory_space<semaphore_mem>> -> memref<1x!tpu.dma_semaphore, #tpu.memory_space<semaphore_mem>>
          %dma_wait3A_373 = tpu.memref_squeeze %dma_wait3A_372 : memref<1x!tpu.dma_semaphore, #tpu.memory_space<semaphore_mem>> -> memref<!tpu.dma_semaphore, #tpu.memory_space<semaphore_mem>>
          %dma_wait3A_374 = arith.constant 0 : i32
          %dma_wait3A_375 = tpu.memref_slice %arg4[%mul3A_365, %dma_wait3A_374] : memref<32768x128xi32, #tpu.memory_space<hbm>> -> memref<128x16xi32, #tpu.memory_space<hbm>>
          %dma_wait3A_376 = arith.constant 0 : i32
          %dma_wait3A_377 = arith.constant 0 : i32
          %dma_wait3A_378 = tpu.memref_slice %run_scoped3A_10[%rem3A_363, %dma_wait3A_376, %dma_wait3A_377] : memref<2x128x16xi32, #tpu.memory_space<vmem>> -> memref<1x128x16xi32, #tpu.memory_space<vmem>>
          %dma_wait3A_379 = tpu.memref_squeeze %dma_wait3A_378 : memref<1x128x16xi32, #tpu.memory_space<vmem>> -> memref<128x16xi32, #tpu.memory_space<vmem>>
          tpu.wait_dma2 semaphore(%dma_wait3A_373 : memref<!tpu.dma_semaphore, #tpu.memory_space<semaphore_mem>>) src(%dma_wait3A_379 : memref<128x16xi32, #tpu.memory_space<vmem>>) dst(%dma_wait3A_375 : memref<128x16xi32, #tpu.memory_space<hbm>>)
          "tpu.trace_stop"() : () -> ()
        } else {
        }
        %and3A_340 = arith.constant true
        %and3A_341 = arith.andi %and3A_336, %and3A_340 : i1
        %add3A_342 = arith.constant 1 : i32
        %add3A_343 = arith.addi %scan3A_149, %add3A_342 : i32
        %select_n3A_344 = arith.select %and3A_341, %add3A_343, %scan3A_149 : i32
        %ne3A_345 = arith.cmpi ne, %add3A_155, %add3A_173 : i32
        %or3A_346 = arith.constant false
        %or3A_347 = arith.ori %or3A_346, %ne3A_345 : i1
        %or3A_348 = arith.constant false
        %or3A_349 = arith.ori %or3A_347, %or3A_348 : i1
        %or3A_350 = arith.ori %or3A_349, %eq3A_154 : i1
        %add3A_351 = arith.constant 1 : i32
        %add3A_352 = arith.addi %scan3A_145, %add3A_351 : i32
        %select_n3A_353 = arith.select %or3A_350, %add3A_352, %scan3A_145 : i32
        %add3A_354 = arith.constant 1 : i32
        %add3A_355 = arith.addi %scan3A_150, %add3A_354 : i32
        %select_n3A_356 = arith.constant true
        %select_n3A_357 = arith.select %select_n3A_356, %add3A_355, %scan3A_150 : i32
        %eq3A_358 = arith.constant 8 : i32
        %eq3A_359 = arith.cmpi eq, %select_n3A_357, %eq3A_358 : i32
        %select_n3A_360 = arith.constant 0 : i32
        %select_n3A_361 = arith.select %eq3A_359, %select_n3A_360, %select_n3A_357 : i32
        scf.yield %select_n3A_193, %select_n3A_353, %select_n3A_285, %select_n3A_328, %select_n3A_299, %select_n3A_344, %select_n3A_361 : i32, i32, i32, i32, i32, i32, i32
      }
      %scan3A_72 = arith.constant 8 : i32
      %sub3A = arith.constant 1 : i32
      %sub3A_73 = arith.subi %scan3A_71#6, %sub3A : i32
      %select_n3A_74 = arith.constant true
      %select_n3A_75 = arith.select %select_n3A_74, %sub3A_73, %scan3A_71#6 : i32
      %eq3A_76 = arith.constant -1 : i32
      %eq3A_77 = arith.cmpi eq, %select_n3A_75, %eq3A_76 : i32
      %select_n3A_78 = arith.constant 7 : i32
      %select_n3A_79 = arith.select %eq3A_77, %select_n3A_78, %select_n3A_75 : i32
      %add3A_80 = arith.addi %select_n3A_79, %mul3A_6 : i32
      %sub3A_81 = arith.constant 1 : i32
      %sub3A_82 = arith.subi %select_n3A_79, %sub3A_81 : i32
      %select_n3A_83 = arith.constant true
      %select_n3A_84 = arith.select %select_n3A_83, %sub3A_82, %select_n3A_79 : i32
      %eq3A_85 = arith.constant -1 : i32
      %eq3A_86 = arith.cmpi eq, %select_n3A_84, %eq3A_85 : i32
      %select_n3A_87 = arith.constant 7 : i32
      %select_n3A_88 = arith.select %eq3A_86, %select_n3A_87, %select_n3A_84 : i32
      %add3A_89 = arith.addi %select_n3A_88, %mul3A_6 : i32
      %add3A_90 = arith.constant 1 : i32
      %add3A_91 = arith.addi %select_n3A_79, %add3A_90 : i32
      %select_n3A_92 = arith.constant true
      %select_n3A_93 = arith.select %select_n3A_92, %add3A_91, %select_n3A_79 : i32
      %eq3A_94 = arith.constant 8 : i32
      %eq3A_95 = arith.cmpi eq, %select_n3A_93, %eq3A_94 : i32
      %select_n3A_96 = arith.constant 0 : i32
      %select_n3A_97 = arith.select %eq3A_95, %select_n3A_96, %select_n3A_93 : i32
      %add3A_98 = arith.addi %select_n3A_97, %mul3A_6 : i32
      %add3A_99 = arith.constant 1 : i32
      %add3A_100 = arith.addi %select_n3A_97, %add3A_99 : i32
      %select_n3A_101 = arith.constant true
      %select_n3A_102 = arith.select %select_n3A_101, %add3A_100, %select_n3A_97 : i32
      %eq3A_103 = arith.constant 8 : i32
      %eq3A_104 = arith.cmpi eq, %select_n3A_102, %eq3A_103 : i32
      %select_n3A_105 = arith.constant 0 : i32
      %select_n3A_106 = arith.select %eq3A_104, %select_n3A_105, %select_n3A_102 : i32
      %add3A_107 = arith.addi %select_n3A_106, %mul3A_6 : i32
      "tpu.trace_start"() <{level = 10 : i32, message = "ep_finalize"}> : () -> ()
      %rem3A_108 = arith.constant 2 : i32
      %rem3A_109 = arith.remui %scan3A_71#3, %rem3A_108 : i32
      %mul3A_110 = arith.constant 128 : i32
      %mul3A_111 = arith.muli %mul3A_110, %add3A_80 : i32
      %dma_wait3A = arith.constant 0 : i32
      %dma_wait3A_112 = arith.constant 0 : i32
      %dma_wait3A_113 = tpu.memref_slice %run_scoped3A_8[%rem3A_109, %dma_wait3A, %dma_wait3A_112] : memref<2x128x16xf32, #tpu.memory_space<vmem>> -> memref<1x128x16xf32, #tpu.memory_space<vmem>>
      %dma_wait3A_114 = tpu.memref_squeeze %dma_wait3A_113 : memref<1x128x16xf32, #tpu.memory_space<vmem>> -> memref<128x16xf32, #tpu.memory_space<vmem>>
      %dma_wait3A_115 = arith.constant 0 : i32
      %dma_wait3A_116 = tpu.memref_slice %arg3[%mul3A_111, %dma_wait3A_115] : memref<32768x128xf32, #tpu.memory_space<hbm>> -> memref<128x16xf32, #tpu.memory_space<hbm>>
      %dma_wait3A_117 = tpu.memref_slice %run_scoped3A_9[%rem3A_109] : memref<2x!tpu.dma_semaphore, #tpu.memory_space<semaphore_mem>> -> memref<1x!tpu.dma_semaphore, #tpu.memory_space<semaphore_mem>>
      %dma_wait3A_118 = tpu.memref_squeeze %dma_wait3A_117 : memref<1x!tpu.dma_semaphore, #tpu.memory_space<semaphore_mem>> -> memref<!tpu.dma_semaphore, #tpu.memory_space<semaphore_mem>>
      %dma_wait3A_119 = arith.constant 0 : i32
      %dma_wait3A_120 = tpu.memref_slice %arg3[%mul3A_111, %dma_wait3A_119] : memref<32768x128xf32, #tpu.memory_space<hbm>> -> memref<128x16xf32, #tpu.memory_space<hbm>>
      %dma_wait3A_121 = arith.constant 0 : i32
      %dma_wait3A_122 = arith.constant 0 : i32
      %dma_wait3A_123 = tpu.memref_slice %run_scoped3A_8[%rem3A_109, %dma_wait3A_121, %dma_wait3A_122] : memref<2x128x16xf32, #tpu.memory_space<vmem>> -> memref<1x128x16xf32, #tpu.memory_space<vmem>>
      %dma_wait3A_124 = tpu.memref_squeeze %dma_wait3A_123 : memref<1x128x16xf32, #tpu.memory_space<vmem>> -> memref<128x16xf32, #tpu.memory_space<vmem>>
      tpu.wait_dma2 semaphore(%dma_wait3A_118 : memref<!tpu.dma_semaphore, #tpu.memory_space<semaphore_mem>>) src(%dma_wait3A_124 : memref<128x16xf32, #tpu.memory_space<vmem>>) dst(%dma_wait3A_120 : memref<128x16xf32, #tpu.memory_space<hbm>>)
      %rem3A_125 = arith.constant 2 : i32
      %rem3A_126 = arith.remui %scan3A_71#5, %rem3A_125 : i32
      %mul3A_127 = arith.constant 128 : i32
      %mul3A_128 = arith.muli %mul3A_127, %add3A_80 : i32
      %dma_wait3A_129 = arith.constant 0 : i32
      %dma_wait3A_130 = arith.constant 0 : i32
      %dma_wait3A_131 = tpu.memref_slice %run_scoped3A_10[%rem3A_126, %dma_wait3A_129, %dma_wait3A_130] : memref<2x128x16xi32, #tpu.memory_space<vmem>> -> memref<1x128x16xi32, #tpu.memory_space<vmem>>
      %dma_wait3A_132 = tpu.memref_squeeze %dma_wait3A_131 : memref<1x128x16xi32, #tpu.memory_space<vmem>> -> memref<128x16xi32, #tpu.memory_space<vmem>>
      %dma_wait3A_133 = arith.constant 0 : i32
      %dma_wait3A_134 = tpu.memref_slice %arg4[%mul3A_128, %dma_wait3A_133] : memref<32768x128xi32, #tpu.memory_space<hbm>> -> memref<128x16xi32, #tpu.memory_space<hbm>>
      %dma_wait3A_135 = tpu.memref_slice %run_scoped3A_11[%rem3A_126] : memref<2x!tpu.dma_semaphore, #tpu.memory_space<semaphore_mem>> -> memref<1x!tpu.dma_semaphore, #tpu.memory_space<semaphore_mem>>
      %dma_wait3A_136 = tpu.memref_squeeze %dma_wait3A_135 : memref<1x!tpu.dma_semaphore, #tpu.memory_space<semaphore_mem>> -> memref<!tpu.dma_semaphore, #tpu.memory_space<semaphore_mem>>
      %dma_wait3A_137 = arith.constant 0 : i32
      %dma_wait3A_138 = tpu.memref_slice %arg4[%mul3A_128, %dma_wait3A_137] : memref<32768x128xi32, #tpu.memory_space<hbm>> -> memref<128x16xi32, #tpu.memory_space<hbm>>
      %dma_wait3A_139 = arith.constant 0 : i32
      %dma_wait3A_140 = arith.constant 0 : i32
      %dma_wait3A_141 = tpu.memref_slice %run_scoped3A_10[%rem3A_126, %dma_wait3A_139, %dma_wait3A_140] : memref<2x128x16xi32, #tpu.memory_space<vmem>> -> memref<1x128x16xi32, #tpu.memory_space<vmem>>
      %dma_wait3A_142 = tpu.memref_squeeze %dma_wait3A_141 : memref<1x128x16xi32, #tpu.memory_space<vmem>> -> memref<128x16xi32, #tpu.memory_space<vmem>>
      tpu.wait_dma2 semaphore(%dma_wait3A_136 : memref<!tpu.dma_semaphore, #tpu.memory_space<semaphore_mem>>) src(%dma_wait3A_142 : memref<128x16xi32, #tpu.memory_space<vmem>>) dst(%dma_wait3A_138 : memref<128x16xi32, #tpu.memory_space<hbm>>)
      "tpu.trace_stop"() : () -> ()
      tpu.yield
    }) : () -> ()
    return
  }
}

</mosaic_0001>

<sc_bundles>
// kernel: kernel.3.cloned.1.call-start
scs
__scs_entry_jumppad:
0x0: {  	(pc) =	sbr.rel $0x88, $3  }
0x1: {  	(tag) =	ssettag $0x0;
	lr =	simm.s32 $0x1  }
0x2: {  	[smem:$0x3FA0] =	sst lr;
	_ =	strace $0xD0000000  }
0x3: {  	_ = 	snop  }
0x4: {  	_ = 	snop  }
0x5: {  	_ = 	snop  }
0x6: {  	_ = 	snop  }
0x7: {  	_ = 	snop  }
__scs_overlays_trampoline_lowered:
0x8: {  	[smem:$0x3FAF] =	sst s0  }
0x9: {  	[smem:$0x3FB0] =	sst s1  }
0xa: {  	[smem:$0x3FB1] =	sst s2  }
0xb: {  	[smem:$0x3FB2] =	sst s3  }
0xc: {  	[smem:$0x3FB3] =	sst s4  }
0xd: {  	[smem:$0x3FB4] =	sst s5  }
0xe: {  	[smem:$0x3FB5] =	sst s6  }
0xf: {  	[smem:$0x3FB6] =	sst s7  }
0x10: {  	[smem:$0x3FB7] =	sst s8  }
0x11: {  	[smem:$0x3FB8] =	sst s9;
	s0 =	simm.s32 @!p0 $0x0  }
0x12: {  	s1 =	sld [smem:$0x3F9E];
	s0 =	simm.s32 @p0 $0x1  }
0x13: {  	[smem:$0x3FB9] =	sst s0;
	s0 =	simm.s32 @!p1 $0x0  }
0x14: {  	s2 =	sld [smem:$0x3F9D];
	s0 =	simm.s32 @p1 $0x1  }
0x15: {  	[smem:$0x3FBA] =	sst s0;
	s0 =	simm.s32 @!p2 $0x0  }
0x16: {  	s3 =	sld [smem:$0x3FDB];
	s0 =	simm.s32 @p2 $0x1  }
0x17: {  	s4 =	simm.s32 $0x1BF5;
	[smem:$0x3FBC] =	sst s0  }
0x18: {  	s0 =	sld [smem:$0x3F9F];
	_ =	swait.ge [sflag:s4], $0x0  }
0x19: {  	s7 =	sld [smem:$0x3FA0]  }
0x1a: {  	s8 =	sadd.s32 $0xFFFFE003, lr  }
0x1b: {  	s9 =	sadd.s32 $0xFFFFFEF7, lr;
	s5 =	simm.s32 $0xFFFFFFFF;
	p2 =	slt.u32 s8, $0xFFFFF086  }
0x1c: {  	p1 =	slt.u32 s9, $0xF7A;
	s5 =	simm.s32 @!p2 $0x0  }
0x1d: {  	s5 =	simm.s32 @p1 $0x1;
	p0 =	seq.s32 s7, s2  }
0x1e: {  	s7 =	smul.u32 @!p0 $0xF7A, s2;
	p2 =	seq.s32 @!p0 s5, $0x0  }
0x1f: {  	s9 =	smul.u32 $0xF7A, s1;
	s8 =	simm.s32 @!p0 $0x1BF5;
	p2 =	por !p2, p0  }
0x20: {  	[sflag:s8] =	ssyncset.s32 @!p0 $0xFFFFF086;
	s6 =	sadd.s32 @!p0 s3, s7;
	s7 =	simm.s32 @!p0 $0x108  }
0x21: {  	s3 =	sadd.s32 s3, s9;
	s6 =	sadd.s32 @!p0 $0x88, s6;
	s7 =	simm.s32 @p2 $0x1082  }
0x22: {  	[simem:s7], [sflag:s8] =	dma.local @!p0 [hbm:s6], $0xF7A  }
0x23: {  	s9 =	sor.u32 $0xD0000000, s2;
	s6 =	simm.s32 $0x108;
	_ =	swait.ge @!p0 [sflag:s8], $0x0  }
0x24: {  	s3 =	sadd.s32 $0x88, s3;
	s6 =	simm.s32 @!p1 $0x1082;
	[sflag:s4] =	ssyncset.s32 $0xFFFFF086  }
0x25: {  	[simem:s6], [sflag:s4] =	dma.local [hbm:s3], $0xF7A  }
0x26: {  	[smem:$0x3FA0] =	sst s1;
	(tag) =	ssettag s2;
	_ =	strace s9  }
0x27: {  	s1 =	sld [smem:$0x3FB0]  }
0x28: {  	s2 =	sld [smem:$0x3FB1]  }
0x29: {  	s4 =	sld [smem:$0x3FB3]  }
0x2a: {  	p0 =	seq.s32 s5, $0x0;
	s5 =	sld [smem:$0x3FB4]  }
0x2b: {  	s6 =	sld [smem:$0x3FB5]  }
0x2c: {  	s7 =	sld [smem:$0x3FB6]  }
0x2d: {  	s3 =	simm.s32 $0x108;
	s8 =	sld [smem:$0x3FB7]  }
0x2e: {  	s3 =	simm.s32 @!p0 $0x1082;
	s9 =	sld [smem:$0x3FB8]  }
0x2f: {  	lr =	sadd.s32 s0, s3;
	s0 =	sld [smem:$0x3FAF]  }
0x30: {  	s3 =	sld [smem:$0x3FB2]  }
0x31: {  	[smem:$0x3FBB] =	sst s10  }
0x32: {  	s10 =	sld [smem:$0x3FB9];
	_ =	sdelay $0x3  }
0x33: {  	p0 =	seq.s32 s10, $0x1;
	s10 =	sld [smem:$0x3FBB];
	_ =	sdelay $0x3  }
0x34: {  	[smem:$0x3FBB] =	sst s10  }
0x35: {  	s10 =	sld [smem:$0x3FBA];
	_ =	sdelay $0x3  }
0x36: {  	p1 =	seq.s32 s10, $0x1;
	s10 =	sld [smem:$0x3FBB];
	_ =	sdelay $0x3  }
0x37: {  	[smem:$0x3FBB] =	sst s10  }
0x38: {  	s10 =	sld [smem:$0x3FBC]  }
0x39: {  	_ = 	snop;
	(pc) =	sbr.ind lr, $3  }
0x3a: {  	_ = 	snop  }
0x3b: {  	_ = 	snop  }
0x3c: {  	p2 =	seq.s32 s10, $0x1;
	s10 =	sld [smem:$0x3FBB]  }
0x3d: {  	_ =	shalt  }
0x3e: {  	_ =	shalt  }
0x3f: {  	_ =	shalt  }
0x40: {  	_ =	shalt  }
0x41: {  	_ =	shalt  }
0x42: {  	_ =	shalt  }
0x43: {  	_ =	shalt  }
0x44: {  	_ =	shalt  }
0x45: {  	_ =	shalt  }
0x46: {  	_ =	shalt  }
0x47: {  	_ =	shalt  }
0x48: {  	_ =	shalt  }
0x49: {  	_ =	shalt  }
0x4a: {  	_ =	shalt  }
0x4b: {  	_ =	shalt  }
0x4c: {  	_ =	shalt  }
0x4d: {  	_ =	shalt  }
0x4e: {  	_ =	shalt  }
0x4f: {  	_ =	shalt  }
0x50: {  	_ =	shalt  }
0x51: {  	_ =	shalt  }
0x52: {  	_ =	shalt  }
0x53: {  	_ =	shalt  }
0x54: {  	_ =	shalt  }
0x55: {  	_ =	shalt  }
0x56: {  	_ =	shalt  }
0x57: {  	_ =	shalt  }
0x58: {  	_ =	shalt  }
0x59: {  	_ =	shalt  }
0x5a: {  	_ =	shalt  }
0x5b: {  	_ =	shalt  }
0x5c: {  	_ =	shalt  }
0x5d: {  	_ =	shalt  }
0x5e: {  	_ =	shalt  }
0x5f: {  	_ =	shalt  }
0x60: {  	_ =	shalt  }
0x61: {  	_ =	shalt  }
0x62: {  	_ =	shalt  }
0x63: {  	_ =	shalt  }
0x64: {  	_ =	shalt  }
0x65: {  	_ =	shalt  }
0x66: {  	_ =	shalt  }
0x67: {  	_ =	shalt  }
0x68: {  	_ =	shalt  }
0x69: {  	_ =	shalt  }
0x6a: {  	_ =	shalt  }
0x6b: {  	_ =	shalt  }
0x6c: {  	_ =	shalt  }
0x6d: {  	_ =	shalt  }
0x6e: {  	_ =	shalt  }
0x6f: {  	_ =	shalt  }
0x70: {  	_ =	shalt  }
0x71: {  	_ =	shalt  }
0x72: {  	_ =	shalt  }
0x73: {  	_ =	shalt  }
0x74: {  	_ =	shalt  }
0x75: {  	_ =	shalt  }
0x76: {  	_ =	shalt  }
0x77: {  	_ =	shalt  }
0x78: {  	_ =	shalt  }
0x79: {  	_ =	shalt  }
0x7a: {  	_ =	shalt  }
0x7b: {  	_ =	shalt  }
0x7c: {  	_ =	shalt  }
0x7d: {  	_ =	shalt  }
0x7e: {  	_ =	shalt  }
0x7f: {  	_ =	shalt  }
0x80: {  	_ =	shalt  }
0x81: {  	_ =	shalt  }
0x82: {  	_ =	shalt  }
0x83: {  	_ =	shalt  }
0x84: {  	_ =	shalt  }
0x85: {  	_ =	shalt  }
0x86: {  	_ =	shalt  }
0x87: {  	_ =	shalt  }
.Lfunc_end0:
.L_simem_size_0:
called_computation_lowered:
.L_overlay_start_0:
0x88: {  	s2 =	sld [smem:$0x3FD9]  }
0x89: {  	s3 =	sld [smem:$0x3FFE];
	_ =	sdelay $0x1  }
0x8a: {  	s1 =	srdreg.scid  }
0x8b: {  	s0 =	sand.u32 $0x1, s1  }
0x8c: {  	s16 =	sshll.u32 s0, $0xA;
	s2 =	sadd.s32 s3, s2  }
0x8d: {  	s2 =	sadd.s32 s2, s16  }
0x8e: {  	[smem:$0x3FC7] =	sst s2  }
0x8f: {  	_ = 	snop  }
0x90: {  	(tm) =	ssettm $0x1  }
0x91: {  	s17 =	sld [smem:$0x3FFB];
	_ =	sdelay $0x3  }
0x92: {  	_ =	strace s17  }
0x93: {  	s2 =	sld [smem:$0x3FFC];
	_ =	sdelay $0x3  }
0x94: {  	_ =	strace s2  }
0x95: {  	s2 =	sld [smem:$0x3FFD];
	_ =	sdelay $0x3  }
0x96: {  	_ =	strace s2  }
0x97: {  	_ =	strace $0x8FFFFFFF  }
0x98: {  	s18 =	sld [smem:$0x3FDB];
	_ =	sdelay $0x1  }
0x99: {  	s19 =	simm.s32 $_scs_section_size  }
0x9a: {  	s4 =	simm.s32 $_size__tile_overlayer_lowered;
	s5 =	simm.s32 $_tile_overlayer_lowered  }
0x9b: {  	s22 =	simm.s32 $0x1BFF;
	s21 =	sshll.u32 s5, $0x1;
	s2 =	sadd.s32 s19, s18  }
0x9c: {  	s6 =	simm.s32 $0x0;
	s20 =	sshll.u32 s4, $0x1;
	s4 =	sadd.s32 s21, s2  }
0x9d: {  	[timem:s6], [sflag:s22] =	dma.local [hbm:s4], s20  }
0x9e: {  	_ =	swait.ge [sflag:s22], s20  }
0x9f: {  	s3 =	ssub.s32 $0x0, s20;
	[sflag:s22] =	ssyncset.done $0x0  }
0xa0: {  	[sflag:s22] =	ssyncadd.s32 s3;
	_ =	sdelay $0x1  }
0xa1: {  	s23 =	simm.s32 $0x1B8B  }
0xa2: {  	_ =	swait.ge [sflag:s23], $0x1  }
0xa3: {  	[sflag:s23] =	ssyncset.done $0x0  }
0xa4: {  	s25 =	simm.s32 $0x1B8E;
	s24 =	sld [smem:$0x3FFE];
	[sflag:s23] =	ssyncadd.s32 $0xFFFFFFFF  }
0xa5: {  	s26 =	simm.s32 $execute0_lowered;
	[smem:$0x3FD2] =	sst s25  }
0xa6: {  	s4 =	sshll.u32 s26, $0x1;
	_ =	strace $0x80000046;
	[dreg:$0x1] =	wrdreg $0xFFFFFFFF  }
0xa7: {  	s28 =	simm.s32 $_size_execute0_lowered;
	s2 =	sadd.s32 s2, s4;
	[dreg:$0x0] =	wrdreg $0x0  }
0xa8: {  	s4 =	sshll.u32 s28, $0x1;
	[dreg:$0x2] =	wrdreg s2  }
0xa9: {  	[dreg:$0x3] =	wrdreg s4  }
0xaa: {  	[dreg:$0x4] =	wrdreg $0xC0  }
0xab: {  	_ =	task [dreg:s6], $0x5FFFF  }
0xac: {  	[dreg:$0x1] =	wrdreg $0xFFFFFFFF  }
0xad: {  	[dreg:$0x0] =	wrdreg $0x60  }
0xae: {  	[dreg:$0x2] =	wrdreg s24  }
0xaf: {  	[dreg:$0x3] =	wrdreg $0x9  }
0xb0: {  	_ =	task.clear_ibuf [dreg:s6], $0x4FFFF;
	_ =	strace $0x90000046  }
0xb1: {  	s29 =	simm.s32 $0x9;
	_ =	strace $0x80000051  }
0xb2: {  	_ =	swait.ge [sflag:s29], $0x1  }
0xb3: {  	[sflag:s29] =	ssyncadd.s32 $0xFFFFFFFF  }
0xb4: {  	_ =	strace $0x90000051  }
0xb5: {  	_ =	sfence  }
0xb6: {  	s30 =	sld [smem:$0x0];
	_ =	sdelay $0x2  }
0xb7: {  	s31 =	sshll.u32 s1, $0xD;
	s1 =	sshrl.u32 s1, $0x2  }
0xb8: {  	s3 =	sand.u32 $0x4000, s31;
	s1 =	sadd.s32 s1, s30  }
0xb9: {  	s0 =	sor.u32 s3, s0;
	s1 =	sshll.u32 s1, $0x11  }
0xba: {  	s0 =	sor.u32 s1, s0  }
0xbb: {  	s0 =	sadd.s32 $0x8F2B, s0  }
0xbc: {  	[sflag:s0] =	ssyncadd.remote.s32 $0x1  }
0xbd: {  	_ =	sfence.sel $0xFFFF  }
0xbe: {  	[dreg:$0x0] =	wrdreg $0xFFFFFFFF;
	(pc) =	sbr.abs _section_cstart, $3  }
0xbf: {  	[dreg:$0x1] =	wrdreg $0xFFFFFFFF  }
0xc0: {  	_ =	task.clear_ibuf [dreg:s6], $0x2FFFF;
	_ =	strace $0x9FFFFFFF  }
0xc1: {  	(tm) =	ssettm $0x7FFFFFFF  }
tec
execute0_lowered:
.L_overlay_start_1:
0x0: {  	(tag) =	ssettag $0x1  }
0x1: {  	s0 =	rddreg [dreg:$0x0]  }
0x2: {  	s1 =	simm.s32 $0x0;
	s29 =	srdreg.scid;
	s5 =	stileid.u32  }
0x3: {  	s9 =	simm.s32 $0x10;
	s10 =	simm.s32 $0x80;
	s11 =	simm.s32 $0x0  }
0x4: {  	[smem:$0x7FF] =	sst s1;
	s3 =	sadd.s32 $0xA00, s0;
	s1 =	sand.u32 $0x1, s29  }
0x5: {  	s4 =	sadd.s32 $0x40A00, s0;
	s2 =	ssub.s32 $0x2, s1;
	s1 =	sshll.u32 s1, $0x4  }
0x6: {  	_ =	strace $0x80000047;
	s6 =	sshrl.u32 s2, $0x1;
	s1 =	sor.u32 s5, s1  }
0x7: {  	v0 =	vlaneseq.u32;
	s5 =	sadd.s32 $0xC0A00, s0;
	s30 =	ssub.s32 s2, s6;
	s31 =	sshll.u32 s1, $0xD  }
0x8: {  	v1 =	vor.u32 $0x10, v0;
	v2 =	vor.u32 $0x20, v0;
	v3 =	vor.u32 $0x30, v0;
	s6 =	sshll.u32 s1, $0x3;
	s7 =	sadd.s32 s3, s31;
	s8 =	smax.u32 s30, $0x1  }
.LBB2_1:
0x9: {  	_ =	strace $0x80000048;
	s0 =	simm.s32 $0x0  }
0xa: {  	s13 =	simm.s32 $0x0;
	s12 =	simm.s32 $0x0;
	s14 =	simm.s32 $0x0  }
0xb: {  	s24 =	simm.s32 $0x0;
	s15 =	simm.s32 $0x0;
	s16 =	simm.s32 $0x0  }
0xc: {  	[tilespmem:s0], [sflag:$0x1] =	stream.linear.gather [hbm4b:s7+s0], $0x2000, $0x200038;
	[tilespmem:$0x6000] =	vst v63  }
0xd: {  	s17 =	simm.s32 $0x1;
	s18 =	simm.s32 $0x0;
	_ =	strace $0x90000048  }
.LBB2_2:
0xe: {  	s19 =	smov.u32 s13;
	s13 =	sadd.s32 $0x1, s13  }
0xf: {  	p0 =	seq.s32 s13, $0x8  }
0x10: {  	s13 =	simm.s32 @p0 $0x0  }
0x11: {  	p1 =	sne.s32 s18, $0x7;
	p0 =	sne.s32 s19, s13  }
0x12: {  	p0 =	por !p1, !p0  }
0x13: {  	p0 =	por !p0, !p0  }
0x14: {  	s0 =	sadd.s32 @p0 s6, s13  }
0x15: {  	_ =	strace @p0 $0x80000049;
	s0 =	sshll.u32 @p0 s0, $0xA  }
0x16: {  	s1 =	sand.u32 @p0 $0x1, s17;
	s20 =	simm.s32 @p0 $0x0;
	s0 =	sand.u32 @p0 $0x1FFFFC00, s0  }
0x17: {  	s2 =	sshll.u32 @p0 s1, $0xD;
	s1 =	sadd.s32 @p0 $0x1, s1;
	s0 =	sadd.s32 @p0 s3, s0  }
0x18: {  	[tilespmem:s2], [sflag:s1] =	stream.linear.gather @p0 [hbm4b:s0+s20], $0x2000, $0x200038;
	[tilespmem:$0x6000] =	vst v63  }
0x19: {  	s22 =	sand.u32 $0x1, s16;
	_ =	strace @p0 $0x90000049  }
0x1a: {  	s23 =	sadd.s32 $0x1, s22;
	_ =	strace $0x8000004A  }
0x1b: {  	_ =	swait.ge [sflag:s23], $0x2000  }
0x1c: {  	[sflag:s23] =	ssyncset.done $0x0  }
0x1d: {  	[sflag:s23] =	ssyncadd.s32 $0xFFFFE000  }
0x1e: {  	s0 =	sshll.u32 s22, $0xD;
	_ =	strace $0x9000004A  }
0x1f: {  	s0 =	sor.u32 $0x40, s0;
	_ =	strace $0x8000004B  }
0x20: {  	v4 =	vld [tilespmem:s0+$0xFFFFFFC0]  }
0x21: {  	v5 =	vld [tilespmem:s0+$0x30]  }
0x22: {  	v6 =	vld [tilespmem:s0+$0x0]  }
0x23: {  	v7 =	vld [tilespmem:s0+$0xFFFFFFF0]  }
0x24: {  	v8 =	vld [tilespmem:s0+$0x10];
	_ =	sdelay $0x1  }
0x25: {  	v9 =	vld [tilespmem:s0+$0xFFFFFFE0]  }
0x26: {  	v10 =	vld [tilespmem:s0+$0x20];
	(xrf1) =	vsort.dscd.msk.f32 $0xffff, v4, v0;
	v4 =	vmul.f32 $1.442695020e+00, v4  }
0x27: {  	v11 =	vmul.f32 $1.442695020e+00, v7;
	(xrf1) =	vsort.ascd.msk.f32 $0xffff, v5, v3  }
0x28: {  	v13 =	vmul.f32 $1.442695020e+00, v8;
	(xrf1) =	vsort.dscd.msk.f32 $0xffff, v6, v0;
	(erf) = vpow2.f32 v4  }
0x29: {  	(xrf1) =	vsort.ascd.msk.f32 $0xffff, v7, v3;
	(erf) = vpow2.f32 v11  }
0x2a: {  	v12 =	vld [tilespmem:s0+$0xFFFFFFD0];
	(xrf1) =	vsort.dscd.msk.f32 $0xffff, v9, v2;
	(erf) = vpow2.f32 v13  }
0x2b: {  	(xrf1) =	vsort.dscd.msk.f32 $0xffff, v10, v2;
	_ =	sdelay $0x1  }
0x2c: {  	s0 =	sadd.s32 $0x80, s0;
	(xrf1) =	vsort.ascd.msk.f32 $0xffff, v8, v1  }
0x2d: {  	v4 =	vld [tilespmem:s0+$0xFFFFFFC0]  }
0x2e: {  	(xrf1) =	vsort.ascd.msk.f32 $0xffff, v12, v1;
	_ =	sdelay $0x1  }
0x2f: {  	v15 =	vld [tilespmem:s0+$0xFFFFFFF0];
	v7 =	vmul.f32 $1.442695020e+00, v12;
	v9 =	vmul.f32 $1.442695020e+00, v9;
	v13 =	vpop (erf)  }
0x30: {  	v17 =	vld [tilespmem:s0+$0x10];
	v14 =	vpop (erf)  }
0x31: {  	v5 =	vmul.f32 $1.442695020e+00, v5;
	v12 =	vld [tilespmem:s0+$0x30];
	(xrf1) =	vsort.dscd.msk.f32 $0xffff, v4, v0;
	(erf) = vpow2.f32 v7;
	v16 =	vpop (erf)  }
0x32: {  	v6 =	vmul.f32 $1.442695020e+00, v6;
	v10 =	vmul.f32 $1.442695020e+00, v10;
	v7 =	vld [tilespmem:s0+$0x0];
	v8, v11, _ =	vpop (xrf1)  }
0x33: {  	(erf) = vpow2.f32 v9;
	v9, v18, _ =	vpop (xrf1)  }
0x34: {  	v24 =	vmul.f32 $1.442695020e+00, v15;
	(erf) = vpow2.f32 v6;
	v6 =	vld [tilespmem:s0+$0xFFFFFFE0];
	v19, v20, _ =	vpop (xrf1)  }
0x35: {  	v21 =	vld [tilespmem:s0+$0x20];
	v4 =	vmul.f32 $1.442695020e+00, v4;
	(erf) = vpow2.f32 v5;
	v5, v22, _ =	vpop (xrf1)  }
0x36: {  	v27 =	vmul.f32 $1.442695020e+00, v17;
	(erf) = vpow2.f32 v10;
	(xrf1) =	vsort.ascd.msk.f32 $0xffff, v12, v3;
	v10, v23, _ =	vpop (xrf1)  }
0x37: {  	(xrf1) =	vsort.dscd.msk.f32 $0xffff, v7, v0;
	v25, v26, _ =	vpop (xrf1)  }
0x38: {  	(erf) = vpow2.f32 v4;
	(xrf1) =	vsort.ascd.msk.f32 $0xffff, v15, v3;
	vm0 =	vge.f32 v25, v9  }
0x39: {  	(erf) = vpow2.f32 v24;
	(xrf1) =	vsort.dscd.msk.f32 $0xffff, v6, v2;
	v4, v15, _ =	vpop (xrf1);
	v9 =	vsel vm0, v25, v9  }
0x3a: {  	v24 =	vpop (erf);
	(erf) = vpow2.f32 v27;
	(xrf1) =	vsort.dscd.msk.f32 $0xffff, v21, v2;
	v18 =	vsel vm0, v26, v18;
	vm1 =	vge.f32 v19, v4  }
0x3b: {  	vm5 =	vge.f32 v10, v5;
	v25 =	vld [tilespmem:s0+$0xFFFFFFD0];
	v26, v27, _ =	vpop (xrf1);
	(xrf1) =	vsort.ascd.msk.f32 $0xffff, v9, v18;
	v15 =	vsel vm1, v20, v15  }
0x3c: {  	v5 =	vsel vm5, v10, v5;
	v10 =	vsel vm5, v23, v22;
	(xrf1) =	vsort.ascd.msk.f32 $0xffff, v17, v1;
	v9 =	vpop (erf)  }
0x3d: {  	v4 =	vsel vm1, v19, v4;
	v17 =	vpop (erf)  }
0x3e: {  	vm4 =	vge.f32 v8, v26;
	(xrf1) =	vsort.dscd.msk.f32 $0xffff, v4, v15;
	v18 =	vpop (erf)  }
0x3f: {  	v8 =	vsel vm4, v8, v26;
	v11 =	vsel vm4, v11, v27;
	(xrf1) =	vsort.ascd.msk.f32 $0xffff, v5, v10;
	v10, v15, _ =	vpop (xrf1)  }
0x40: {  	v5 =	vmul.f32 $1.442695020e+00, v25;
	(xrf1) =	vsort.dscd.msk.f32 $0xffff, v8, v11;
	v4 =	vpop (erf)  }
0x41: {  	v8 =	vadd.f32 v24, v13;
	v19 =	vpop (erf)  }
0x42: {  	(xrf1) =	vsort.ascd.msk.f32 $0xffff, v25, v1;
	(erf) = vpow2.f32 v5;
	v20 =	vpop (erf)  }
0x43: {  	s0 =	sadd.s32 $0x80, s0;
	v16 =	vadd.f32 v16, v17;
	v8 =	vadd.f32 v9, v8;
	v13 =	vpop (erf)  }
0x44: {  	v6 =	vmul.f32 $1.442695020e+00, v6;
	v5 =	vld [tilespmem:s0+$0xFFFFFFC0];
	v11, v22, _ =	vpop (xrf1)  }
0x45: {  	v12 =	vmul.f32 $1.442695020e+00, v12;
	v8 =	vadd.f32 v14, v8;
	v9, v23, _ =	vpop (xrf1)  }
0x46: {  	v7 =	vmul.f32 $1.442695020e+00, v7;
	v27 =	vld [tilespmem:s0+$0x0];
	(erf) = vpow2.f32 v6;
	v17, v24, _ =	vpop (xrf1)  }
0x47: {  	v25 =	vld [tilespmem:s0+$0x30];
	v4 =	vadd.f32 v4, v16;
	(xrf2) =	vadd.scan.msk.f32 $0xffff, v8;
	v14, v26, _ =	vpop (xrf1)  }
0x48: {  	v21 =	vmul.f32 $1.442695020e+00, v21;
	(erf) = vpow2.f32 v7;
	v7 =	vld [tilespmem:s0+$0xFFFFFFF0];
	v6, v16, _ =	vpop (xrf1)  }
0x49: {  	v28 =	vld [tilespmem:s0+$0x10];
	v4 =	vadd.f32 v18, v4;
	(xrf1) =	vsort.dscd.msk.f32 $0xffff, v5, v0;
	v29, v30, _ =	vpop (xrf1)  }
0x4a: {  	v18 =	vld [tilespmem:s0+$0xFFFFFFE0];
	(erf) = vpow2.f32 v12;
	v5 =	vmul.f32 $1.442695020e+00, v5;
	v8, v12, _ =	vpop (xrf1)  }
0x4b: {  	(erf) = vpow2.f32 v21;
	(xrf2) =	vadd.scan.msk.f32 $0xffff, v4;
	v31 =	vpop (erf)  }
0x4c: {  	(xrf1) =	vsort.ascd.msk.f32 $0xffff, v25, v3;
	(erf) = vpow2.f32 v5;
	v21, v32, _ =	vpop (xrf1)  }
0x4d: {  	v33 =	vld [tilespmem:s0+$0x20];
	v35 =	vmul.f32 $1.442695020e+00, v7;
	(xrf1) =	vsort.dscd.msk.f32 $0xffff, v27, v0;
	v4, v34, _ =	vpop (xrf1)  }
0x4e: {  	v5 =	vmul.f32 $1.442695020e+00, v28;
	vm6 =	vge.f32 v21, v29;
	v36, v37, _ =	vpop (xrf1);
	(xrf1) =	vsort.ascd.msk.f32 $0xffff, v7, v3  }
0x4f: {  	(erf) = vpow2.f32 v35;
	v21 =	vsel vm6, v21, v29;
	v29 =	vsel vm6, v32, v30;
	v30 =	vpop (erf);
	(xrf1) =	vsort.dscd.msk.f32 $0xffff, v18, v2  }
0x50: {  	vm7 =	vge.f32 v6, v11;
	(erf) = vpow2.f32 v5;
	v7, v38, _ =	vpop (xrf1)  }
0x51: {  	v5 =	vsel vm7, v6, v11;
	v6 =	vsel vm7, v16, v22;
	(xrf1) =	vsort.dscd.msk.f32 $0xffff, v21, v29;
	v16, _, _ =	vpop (xrf2)  }
0x52: {  	v11 =	vld [tilespmem:s0+$0xFFFFFFD0];
	v21 =	vpop (erf);
	(xrf1) =	vsort.dscd.msk.f32 $0xffff, v33, v2  }
0x53: {  	v29 =	vpop (erf);
	(xrf1) =	vsort.ascd.msk.f32 $0xffff, v5, v6;
	v5 =	vbroadcast v16, $0xF  }
0x54: {  	vm2 =	vge.f32 v9, v8;
	v22 =	vpop (erf)  }
0x55: {  	vm10 =	vge.f32 v14, v17;
	v6 =	vsel vm2, v9, v8;
	(xrf1) =	vsort.ascd.msk.f32 $0xffff, v28, v1;
	v16 =	vpop (erf);
	(erf) = vrcp.f32 v5  }
0x56: {  	v8 =	vsel vm2, v23, v12;
	v9 =	vsel vm10, v14, v17;
	v14, _, _ =	vpop (xrf2)  }
0x57: {  	vm8 =	vge.f32 v36, v4;
	v18 =	vmul.f32 $1.442695020e+00, v18;
	(xrf1) =	vsort.dscd.msk.f32 $0xffff, v6, v8;
	v8 =	vmul.f32 $1.442695020e+00, v11;
	v23, v55, _ =	vpop (xrf1)  }
0x58: {  	vm9 =	vge.f32 v10, v7;
	v4 =	vsel vm8, v36, v4;
	v12 =	vsel vm10, v26, v24;
	v6 =	vpop (erf)  }
0x59: {  	v5 =	vsel vm8, v37, v34;
	(xrf1) =	vsort.ascd.msk.f32 $0xffff, v9, v12;
	v9 =	vsel vm9, v15, v38;
	v17 =	vpop (erf);
	(erf) = vpow2.f32 v8  }
0x5a: {  	v7 =	vsel vm9, v10, v7;
	(xrf1) =	vsort.dscd.msk.f32 $0xffff, v4, v5;
	v15, v28, _ =	vpop (xrf1)  }
0x5b: {  	v24 =	vmul.f32 $1.442695020e+00, v27;
	(xrf1) =	vsort.dscd.msk.f32 $0xffff, v7, v9;
	v57, v56, _ =	vpop (xrf1);
	(erf) = vpow2.f32 v18  }
0x5c: {  	s2 =	sadd.s32 $0x80, s0;
	(xrf1) =	vsort.ascd.msk.f32 $0xffff, v11, v1;
	v9, v8, _ =	vpop (xrf1)  }
0x5d: {  	v10 =	vadd.f32 v31, v19;
	v7 =	vld [tilespmem:s2+$0xFFFFFFC0];
	(erf) = vpow2.f32 v24;
	v12, v11, _ =	vpop (xrf1)  }
0x5e: {  	v5 =	vpop (erf)  }
0x5f: {  	v25 =	vmul.f32 $1.442695020e+00, v25;
	v10 =	vadd.f32 v30, v10;
	v19, v4, _ =	vpop (xrf1)  }
0x60: {  	v13 =	vadd.f32 v13, v21;
	v21 =	vld [tilespmem:s2+$0x0];
	v18, v27, _ =	vpop (xrf1)  }
0x61: {  	v26 =	vmul.f32 $1.442695020e+00, v33;
	v10 =	vadd.f32 v20, v10;
	(erf) = vpow2.f32 v25;
	v25 =	vld [tilespmem:s2+$0x30];
	v24, v31, _ =	vpop (xrf1)  }
0x62: {  	v30 =	vld [tilespmem:s2+$0x10];
	v13 =	vadd.f32 v22, v13;
	(xrf1) =	vsort.dscd.msk.f32 $0xffff, v7, v0;
	v20 =	vpop (erf)  }
0x63: {  	v58 =	vld [tilespmem:s2+$0xFFFFFFF0];
	(xrf2) =	vadd.scan.msk.f32 $0xffff, v10;
	(erf) = vpow2.f32 v26;
	v19 =	vmul.f32 $1.442695020e+00, v19;
	v59, v60, _ =	vpop (xrf1)  }
0x64: {  	v14 =	vbroadcast v14, $0xF;
	v29 =	vadd.f32 v29, v13;
	v16 =	vadd.f32 v20, v16;
	v20 =	vpop (erf)  }
0x65: {  	v22 =	vmul.f32 $1.442695020e+00, v7;
	vm12 =	vge.f32 v18, v15;
	(erf) = vpow2.f32 v19;
	v26, v61, _ =	vpop (xrf1)  }
0x66: {  	v41 =	vld [tilespmem:s2+$0xFFFFFFE0];
	(xrf1) =	vsort.ascd.msk.f32 $0xffff, v25, v3;
	v18 =	vsel vm12, v18, v15;
	v15 =	vmul.f32 $1.442695020e+00, v25;
	(erf) = vrcp.f32 v14;
	v25 =	vpop (erf)  }
0x67: {  	v10 =	vmul.f32 $1.442695020e+00, v21;
	v42 =	vmul.f32 $1.442695020e+00, v30;
	(xrf2) =	vadd.scan.msk.f32 $0xffff, v29;
	v39, v40, _ =	vpop (xrf1)  }
0x68: {  	v14 =	vmul.f32 $1.442695020e+00, v58;
	(xrf1) =	vsort.dscd.msk.f32 $0xffff, v21, v0;
	(erf) = vpow2.f32 v22;
	v43, v7, _ =	vpop (xrf1)  }
0x69: {  	v13 =	vld [tilespmem:s2+$0x20];
	vm15 =	vge.f32 v57, v59;
	vm11 =	vge.f32 v26, v24;
	v17 =	vadd.f32 v17, v25;
	v44, v45, _ =	vpop (xrf1)  }
0x6a: {  	v19 =	vld [tilespmem:s2+$0xFFFFFFD0];
	v29 =	vsel vm15, v57, v59;
	v21 =	vsel vm11, v26, v24;
	(erf) = vpow2.f32 v14;
	v46, v47, _ =	vpop (xrf1);
	(xrf1) =	vsort.ascd.msk.f32 $0xffff, v58, v3  }
0x6b: {  	s21 =	sand.u32 $0x1, s14;
	v62 =	vpop (erf);
	v14 =	vsel vm11, v61, v31;
	v43 =	vmul.f32 $1.442695020e+00, v43;
	(erf) = vpow2.f32 v42;
	(xrf1) =	vsort.dscd.msk.f32 $0xffff, v41, v2  }
0x6c: {  	s22 =	sand.u32 $0x1, s15;
	s1 =	sshll.u32 s21, $0xB;
	v25 =	vpop (erf);
	v31 =	vsel vm15, v56, v60;
	(xrf1) =	vsort.dscd.msk.f32 $0xffff, v21, v14;
	v14 =	vsel vm12, v27, v28  }
0x6d: {  	s20 =	smov.u32 s24;
	s25 =	sshll.u32 s22, $0xB;
	s29 =	sor.u32 $0x5010, s1;
	v63 =	vadd.f32 v25, v17;
	vm13 =	vge.f32 v44, v39;
	(erf) = vpow2.f32 v43;
	v17, _, _ =	vpop (xrf2)  }
0x6e: {  	s24 =	sor.u32 $0x5000, s1;
	s1 =	simm.s32 $0x6;
	s30 =	sor.u32 $0x4010, s25;
	v25 =	vmul.f32 $1.442695020e+00, v41;
	vm14 =	vge.f32 v23, v46;
	v24 =	vsel vm13, v44, v39;
	(xrf1) =	vsort.dscd.msk.f32 $0xffff, v13, v2;
	v21 =	vpop (erf)  }
0x6f: {  	s26 =	sadd.s32 $0x20, s29;
	s25 =	sor.u32 $0x4000, s25;
	s28 =	sadd.s32 $0x20, s30;
	v22 =	vmul.f32 $1.442695020e+00, v19;
	v26 =	vsel vm13, v45, v40;
	v27 =	vsel vm14, v23, v46;
	(xrf1) =	vsort.ascd.msk.f32 $0xffff, v18, v14;
	v23 =	vpop (erf)  }
0x70: {  	s31 =	smov.u32 s26;
	s23 =	sadd.s32 s6, s19;
	s0 =	smov.u32 s28;
	v28 =	vbroadcast v17, $0xF;
	v18 =	vadd.f32 v62, v63;
	v17, v14, _ =	vpop (xrf1);
	(xrf1) =	vsort.ascd.msk.f32 $0xffff, v30, v1;
	v30 =	vsel vm14, v55, v47  }
.LBB2_3:
0x71: {  	s1 =	sadd.s32 $0x2, s1;
	v32 =	vpop (erf);
	vm0 =	vge.f32 v12, v9;
	v16 =	vadd.f32 v20, v16;
	s28 =	sadd.s32 $0x20, s28;
	s26 =	sadd.s32 $0x20, s26;
	v20 =	vmul.f32 v21, v23  }
0x72: {  	p1 =	slt.u32 s1, $0x7E;
	v9 =	vsel vm0, v12, v9;
	v8 =	vsel vm0, v11, v8;
	(xrf1) =	vsort.dscd.msk.f32 $0xffff, v29, v31;
	(erf) = vrcp.f32 v28;
	v11, _, _ =	vpop (xrf2)  }
0x73: {  	v16 =	vadd.f32 v6, v16;
	v6 =	vpop (erf);
	(xrf1) =	vsort.ascd.msk.f32 $0xffff, v9, v8;
	[tilespmem:s30+$0x0] =	vst v20  }
0x74: {  	v21 =	vpop (erf);
	(xrf1) =	vsort.dscd.msk.f32 $0xffff, v24, v26;
	[tilespmem:s29+$0x0] =	vst v4  }
0x75: {  	v20, v23, _ =	vpop (xrf1);
	(xrf1) =	vsort.dscd.msk.f32 $0xffff, v27, v30  }
0x76: {  	(xrf1) =	vsort.ascd.msk.f32 $0xffff, v19, v1;
	(erf) = vpow2.f32 v22;
	v4 =	vpop (erf)  }
0x77: {  	v27, v28, _ =	vpop (xrf1);
	v19 =	vmul.f32 v4, v5  }
0x78: {  	s2 =	sadd.s32 $0x80, s2;
	v22 =	vbroadcast v11, $0xF;
	v9, v8, _ =	vpop (xrf1)  }
0x79: {  	v24 =	vld [tilespmem:s2+$0xFFFFFFC0];
	v12, v11, _ =	vpop (xrf1);
	[tilespmem:s30+$0xFFFFFFF0] =	vst v19;
	s30 =	smov.u32 s0;
	s0 =	smov.u32 s28  }
0x7a: {  	v26 =	vld [tilespmem:s2+$0x30];
	v5, v4, _ =	vpop (xrf1);
	[tilespmem:s29+$0xFFFFFFF0] =	vst v7;
	s29 =	smov.u32 s31;
	s31 =	smov.u32 s26  }
0x7b: {  	v7 =	vld [tilespmem:s2+$0x20];
	v29 =	vmul.f32 $1.442695020e+00, v5;
	v5 =	vpop (erf)  }
0x7c: {  	v30 =	vld [tilespmem:s2+$0x10];
	(erf) = vpow2.f32 v25;
	v25, v31, _ =	vpop (xrf1)  }
0x7d: {  	v42 =	vmul.f32 $1.442695020e+00, v13;
	v33 =	vld [tilespmem:s2+$0x0];
	(erf) = vpow2.f32 v10;
	v34, v35, _ =	vpop (xrf1)  }
0x7e: {  	v36 =	vld [tilespmem:s2+$0xFFFFFFF0];
	(xrf1) =	vsort.dscd.msk.f32 $0xffff, v24, v0;
	v37, v38, _ =	vpop (xrf1);
	(erf) = vpow2.f32 v15  }
0x7f: {  	v39 =	vld [tilespmem:s2+$0xFFFFFFE0];
	v10 =	vpop (erf);
	(erf) = vpow2.f32 v42  }
0x80: {  	v15 =	vmul.f32 $1.442695020e+00, v24;
	v19 =	vld [tilespmem:s2+$0xFFFFFFD0];
	(xrf2) =	vadd.scan.msk.f32 $0xffff, v16;
	v24, v40, _ =	vpop (xrf1);
	(erf) = vpow2.f32 v29;
	v13 =	vmov v7  }
0x81: {  	v16 =	vadd.f32 v10, v32;
	v29 =	vmul.f32 $1.442695020e+00, v30;
	v32, v41, _ =	vpop (xrf1)  }
0x82: {  	v10 =	vmul.f32 $1.442695020e+00, v33;
	v42, v7, _ =	vpop (xrf1);
	(erf) = vrcp.f32 v22  }
0x83: {  	vm0 =	vge.f32 v24, v34;
	v43 =	vmul.f32 $1.442695020e+00, v36;
	(xrf1) =	vsort.ascd.msk.f32 $0xffff, v26, v3;
	v44, v45, _ =	vpop (xrf1);
	v42 =	vmul.f32 $1.442695020e+00, v42  }
0x84: {  	vm1 =	vge.f32 v25, v20;
	(erf) = vpow2.f32 v15;
	v46, v47, _ =	vpop (xrf1);
	vm2 =	vge.f32 v44, v32;
	(xrf2) =	vadd.scan.msk.f32 $0xffff, v18  }
0x85: {  	v18 =	vsel vm1, v25, v20;
	v25 =	vsel vm0, v24, v34;
	v22 =	vmul.f32 $1.442695020e+00, v19;
	(xrf1) =	vsort.dscd.msk.f32 $0xffff, v33, v0;
	v20 =	vpop (erf)  }
0x86: {  	v15 =	vmul.f32 $1.442695020e+00, v26;
	v33 =	vsel vm0, v40, v35;
	(xrf1) =	vsort.ascd.msk.f32 $0xffff, v36, v3;
	(erf) = vpow2.f32 v43;
	v26 =	vpop (erf)  }
0x87: {  	vm0 =	vge.f32 v17, v46;
	v24 =	vsel vm2, v44, v32;
	(xrf1) =	vsort.dscd.msk.f32 $0xffff, v39, v2;
	(erf) = vpow2.f32 v29;
	v34 =	vpop (erf)  }
.Ltmp0:
0x88: {  	v32 =	vadd.f32 v21, v26;
	v26 =	vsel vm2, v45, v41;
	v35 =	vpop (erf);
	(xrf1) =	vsort.dscd.msk.f32 $0xffff, v25, v33;
	(pc) =	sbr.rel @p1 .LBB2_3-.Ltmp0, $4  }
0x89: {  	vm2 =	vge.f32 v27, v37;
	v33 =	vsel vm1, v31, v23;
	(erf) = vpow2.f32 v42;
	v21 =	vpop (erf)  }
0x8a: {  	v29 =	vsel vm2, v27, v37;
	v32 =	vadd.f32 v35, v32;
	(xrf1) =	vsort.dscd.msk.f32 $0xffff, v13, v2;
	v25, _, _ =	vpop (xrf2)  }
0x8b: {  	v27 =	vsel vm0, v17, v46;
	v31 =	vsel vm2, v28, v38;
	(xrf1) =	vsort.ascd.msk.f32 $0xffff, v18, v33;
	v28 =	vbroadcast v25, $0xF;
	v23 =	vpop (erf)  }
0x8c: {  	v25 =	vmul.f32 $1.442695020e+00, v39;
	v18 =	vadd.f32 v34, v32;
	(xrf1) =	vsort.ascd.msk.f32 $0xffff, v30, v1;
	v30 =	vsel vm0, v14, v47;
	v17, v14, _ =	vpop (xrf1)  }
0x8d: {  	vm0 =	vge.f32 v12, v9;
	(xrf1) =	vsort.dscd.msk.f32 $0xffff, v29, v31  }
0x8e: {  	v9 =	vsel vm0, v12, v9;
	v8 =	vsel vm0, v11, v8  }
0x8f: {  	(xrf1) =	vsort.ascd.msk.f32 $0xffff, v9, v8  }
0x90: {  	(xrf1) =	vsort.dscd.msk.f32 $0xffff, v24, v26  }
0x91: {  	(xrf1) =	vsort.dscd.msk.f32 $0xffff, v27, v30  }
0x92: {  	(xrf1) =	vsort.ascd.msk.f32 $0xffff, v19, v1  }
0x93: {  	v8, v9, _ =	vpop (xrf1)  }
0x94: {  	v57, v56, _ =	vpop (xrf1)  }
0x95: {  	v59, v58, _ =	vpop (xrf1)  }
0x96: {  	v60, v61, _ =	vpop (xrf1)  }
0x97: {  	v29, v30, _ =	vpop (xrf1)  }
0x98: {  	v62, v32, _ =	vpop (xrf1)  }
0x99: {  	v33, v34, _ =	vpop (xrf1)  }
0x9a: {  	(erf) = vrcp.f32 v28;
	v35, v36, _ =	vpop (xrf1)  }
0x9b: {  	(erf) = vpow2.f32 v22;
	v37, v38, _ =	vpop (xrf1)  }
0x9c: {  	(erf) = vpow2.f32 v25;
	vm2 =	vge.f32 v60, v59;
	vm10 =	vge.f32 v37, v33  }
0x9d: {  	vm11 =	vge.f32 v62, v8;
	v63 =	vsel vm10, v37, v33;
	v37 =	vsel vm10, v38, v34;
	v38, v39, _ =	vpop (xrf1)  }
0x9e: {  	v44 =	vsel vm2, v60, v59;
	v45 =	vsel vm2, v61, v58;
	v8 =	vsel vm11, v62, v8;
	v22, v25, _ =	vpop (xrf1)  }
0x9f: {  	v9 =	vsel vm11, v32, v9;
	vm12 =	vge.f32 v57, v35;
	(xrf1) =	vsort.dscd.msk.f32 $0xffff, v63, v37;
	v40, v41, _ =	vpop (xrf1)  }
0xa0: {  	v13 =	vmul.f32 $1.442695020e+00, v13;
	v11 =	vsel vm12, v57, v35;
	v12 =	vsel vm12, v56, v36;
	(xrf1) =	vsort.ascd.msk.f32 $0xffff, v8, v9;
	v42, v43, _ =	vpop (xrf1)  }
0xa1: {  	(erf) = vpow2.f32 v10;
	vm13 =	vge.f32 v40, v38;
	(xrf1) =	vsort.dscd.msk.f32 $0xffff, v11, v12;
	vm1 =	vge.f32 v17, v42  }
0xa2: {  	(erf) = vpow2.f32 v15;
	v46 =	vsel vm13, v40, v38;
	v47 =	vsel vm13, v41, v39;
	(xrf1) =	vsort.ascd.msk.f32 $0xffff, v44, v45  }
0xa3: {  	v48 =	vpop (erf);
	(erf) = vpow2.f32 v13;
	v49 =	vsel vm1, v17, v42;
	v50 =	vsel vm1, v14, v43;
	(xrf1) =	vsort.dscd.msk.f32 $0xffff, v46, v47  }
0xa4: {  	v51 =	vpop (erf);
	(xrf1) =	vsort.dscd.msk.f32 $0xffff, v49, v50  }
0xa5: {  	v52 =	vpop (erf)  }
0xa6: {  	v11 =	vpop (erf)  }
0xa7: {  	v12 =	vpop (erf)  }
0xa8: {  	v53 =	vpop (erf)  }
0xa9: {  	v54 =	vpop (erf)  }
0xaa: {  	v55 =	vpop (erf)  }
0xab: {  	v56 =	vpop (erf)  }
0xac: {  	v57 =	vpop (erf)  }
0xad: {  	v16 =	vadd.f32 v20, v16;
	v58, v24, _ =	vpop (xrf1)  }
0xae: {  	v8 =	vadd.f32 v53, v48;
	v60, v59, _ =	vpop (xrf1)  }
0xaf: {  	v6 =	vadd.f32 v6, v16;
	v62, v61, _ =	vpop (xrf1)  }
0xb0: {  	v8 =	vadd.f32 v54, v8;
	v32, v63, _ =	vpop (xrf1);
	vm14 =	vge.f32 v62, v60  }
0xb1: {  	(xrf2) =	vadd.scan.msk.f32 $0xffff, v6;
	v33 =	vadd.f32 v52, v55;
	v9, v15, _ =	vpop (xrf1);
	v13 =	vsel vm14, v62, v60;
	v34 =	vsel vm14, v61, v59  }
0xb2: {  	v8 =	vadd.f32 v51, v8;
	v36, v35, _ =	vpop (xrf1);
	(xrf1) =	vsort.dscd.msk.f32 $0xffff, v13, v34  }
0xb3: {  	(xrf2) =	vadd.scan.msk.f32 $0xffff, v18;
	v6 =	vadd.f32 v57, v33;
	vm15 =	vge.f32 v36, v32  }
0xb4: {  	(xrf2) =	vadd.scan.msk.f32 $0xffff, v8;
	v37 =	vsel vm15, v36, v32;
	v38 =	vsel vm15, v35, v63  }
0xb5: {  	v6 =	vadd.f32 v56, v6;
	(xrf1) =	vsort.dscd.msk.f32 $0xffff, v37, v38;
	_ =	sdelay $0x1  }
0xb6: {  	(xrf2) =	vadd.scan.msk.f32 $0xffff, v6;
	_ =	sdelay $0x1  }
0xb7: {  	v39, _, _ =	vpop (xrf2);
	v40 =	vmul.f32 $1.442695020e+00, v29;
	v41 =	vmul.f32 v21, v23  }
0xb8: {  	v5 =	vmul.f32 v11, v5;
	v6 =	vbroadcast v39, $0xF  }
0xb9: {  	v42, _, _ =	vpop (xrf2);
	v43 =	vmul.f32 $1.442695020e+00, v22;
	(erf) = vpow2.f32 v40  }
0xba: {  	v44 =	vbroadcast v42, $0xF;
	(erf) = vrcp.f32 v6  }
0xbb: {  	v45, _, _ =	vpop (xrf2);
	v46 =	vmul.f32 $1.442695020e+00, v58;
	(erf) = vpow2.f32 v43  }
0xbc: {  	v47 =	vbroadcast v45, $0xF;
	(erf) = vrcp.f32 v44  }
0xbd: {  	(erf) = vpow2.f32 v46;
	v48 =	vmul.f32 $1.442695020e+00, v9;
	v49, _, _ =	vpop (xrf2)  }
0xbe: {  	(erf) = vrcp.f32 v47;
	v50 =	vbroadcast v49, $0xF;
	v52, v51, _ =	vpop (xrf1)  }
0xbf: {  	(erf) = vpow2.f32 v48;
	v53, _, _ =	vpop (xrf2);
	v9 =	vmul.f32 $1.442695020e+00, v52  }
0xc0: {  	(erf) = vrcp.f32 v50;
	v54 =	vbroadcast v53, $0xF  }
0xc1: {  	(erf) = vpow2.f32 v9;
	v55, v56, _ =	vpop (xrf1)  }
0xc2: {  	[tilespmem:s30+$0x0] =	vst v41;
	v57 =	vpop (erf);
	(erf) = vrcp.f32 v54;
	v58 =	vmul.f32 $1.442695020e+00, v55  }
0xc3: {  	[tilespmem:s30+$0xFFFFFFF0] =	vst v5;
	v59 =	vpop (erf)  }
0xc4: {  	[tilespmem:s29+$0x0] =	vst v4;
	v4 =	vmul.f32 v57, v59;
	v5 =	vpop (erf);
	(erf) = vpow2.f32 v58  }
0xc5: {  	[tilespmem:s29+$0xFFFFFFF0] =	vst v7;
	v60 =	vpop (erf)  }
0xc6: {  	v61 =	vpop (erf);
	[tilespmem:s0+$0x0] =	vst v4;
	v4 =	vmul.f32 v5, v12  }
0xc7: {  	[tilespmem:s31+$0x0] =	vst v30;
	v5 =	vpop (erf)  }
0xc8: {  	[tilespmem:s0+$0xFFFFFFF0] =	vst v4;
	v4 =	vmul.f32 v61, v5;
	v5 =	vpop (erf)  }
0xc9: {  	s30 =	sadd.s32 $0x20, s28;
	[tilespmem:s31+$0xFFFFFFF0] =	vst v25;
	v62 =	vpop (erf)  }
0xca: {  	s1 =	sadd.s32 $0x20, s26;
	[tilespmem:s30+$0x0] =	vst v4;
	v4 =	vmul.f32 v5, v60;
	v5 =	vpop (erf)  }
0xcb: {  	[tilespmem:s1+$0x0] =	vst v24;
	v63 =	vpop (erf)  }
0xcc: {  	[tilespmem:s30+$0xFFFFFFF0] =	vst v4;
	v4 =	vmul.f32 v5, v63  }
0xcd: {  	s0 =	sadd.s32 $0x20, s30;
	[tilespmem:s1+$0xFFFFFFF0] =	vst v15;
	v5 =	vpop (erf)  }
0xce: {  	p1 =	seq.s32 s18, $0x7;
	s1 =	sadd.s32 $0x20, s1;
	[tilespmem:s0+$0x0] =	vst v4;
	v4 =	vmul.f32 v5, v62  }
0xcf: {  	p2 =	seq.s32 @!p1 s19, s13;
	[tilespmem:s1+$0x0] =	vst v51  }
0xd0: {  	p1 =	por p1, !p2;
	[tilespmem:s0+$0xFFFFFFF0] =	vst v4;
	s0 =	simm.s32 $0x0  }
0xd1: {  	[tilespmem:s1+$0xFFFFFFF0] =	vst v56;
	s0 =	sshll.u32 @p1 s23, $0xB  }
0xd2: {  	_ =	strace $0x9000004B;
	s0 =	sand.u32 @p1 $0x1FFFF800, s0  }
0xd3: {  	s1 =	sadd.s32 @p1 $0x3, s22;
	_ =	strace @p1 $0x8000004C;
	s2 =	sadd.s32 @p1 s4, s0  }
0xd4: {  	[hbm4b:s2+s9] =	stream.strided.scatter @p1 [tilespmem:s25], [sflag:s1], $0x800, s10, s9, $0x200038;
	[tilespmem:$0x6000] =	vst v63  }
0xd5: {  	s15 =	sadd.s32 @p1 $0x1, s15;
	_ =	strace @p1 $0x9000004C  }
0xd6: {  	s0 =	sadd.s32 @p1 s5, s0;
	s1 =	sadd.s32 @p1 $0x5, s21;
	_ =	strace @p1 $0x8000004D  }
0xd7: {  	[hbm4b:s0+s9] =	stream.strided.scatter @p1 [tilespmem:s24], [sflag:s1], $0x800, s10, s9, $0x200038;
	[tilespmem:$0x6000] =	vst v63  }
0xd8: {  	s0 =	simm.s32 @p1 $0x1;
	_ =	strace @p1 $0x9000004D;
	p1 =	seq.s32 s18, $0x0  }
0xd9: {  	s1 =	sand.u32 @!p1 $0x1, s20  }
0xda: {  	_ =	strace @!p1 $0x8000004E;
	s1 =	sadd.s32 @!p1 $0x3, s1  }
0xdb: {  	_ =	swait.ge @!p1 [sflag:s1], $0x800  }
0xdc: {  	s2 =	simm.s32 $0x1;
	[sflag:s1] =	ssyncset.done @!p1 $0x0  }
0xdd: {  	s2 =	simm.s32 @!p0 $0x0;
	[sflag:s1] =	ssyncadd.s32 @!p1 $0xFFFFF800  }
0xde: {  	s18 =	sadd.s32 $0x1, s18;
	s1 =	sand.u32 @!p1 $0x1, s12;
	_ =	strace @!p1 $0x9000004E  }
0xdf: {  	p0 =	sne.s32 s18, $0x8;
	s1 =	sadd.s32 @!p1 $0x5, s1;
	_ =	strace @!p1 $0x8000004F  }
.Ltmp1:
0xe0: {  	_ =	swait.ge @!p1 [sflag:s1], $0x800;
	(pc) =	sbr.rel @p0 .LBB2_2-.Ltmp1, $4  }
0xe1: {  	s17 =	sadd.s32 s2, s17;
	[sflag:s1] =	ssyncset.done @!p1 $0x0  }
0xe2: {  	s14 =	sadd.s32 s14, s0;
	[sflag:s1] =	ssyncadd.s32 @!p1 $0xFFFFF800;
	s1 =	simm.s32 @!p1 $0x1  }
0xe3: {  	s16 =	sadd.s32 s16, s0;
	s24 =	sadd.s32 @!p1 $0x1, s20;
	s1 =	simm.s32 @p1 $0x0  }
0xe4: {  	s24 =	smov.u32 @p1 s20;
	_ =	strace @!p1 $0x9000004F;
	s12 =	sadd.s32 s12, s1  }
0xe5: {  	s0 =	sand.u32 $0x1, s24  }
0xe6: {  	_ =	strace $0x80000050;
	s0 =	sadd.s32 $0x3, s0  }
0xe7: {  	s11 =	sadd.s32 $0x1, s11;
	_ =	swait.ge [sflag:s0], $0x800  }
0xe8: {  	s1 =	sand.u32 $0x1, s12;
	p0 =	sne.s32 s11, s8;
	[sflag:s0] =	ssyncset.done $0x0  }
.Ltmp2:
0xe9: {  	s31 =	sadd.s32 $0x5, s1;
	[sflag:s0] =	ssyncadd.s32 $0xFFFFF800;
	(pc) =	sbr.rel @p0 .LBB2_1-.Ltmp2, $4  }
0xea: {  	_ =	swait.ge [sflag:s31], $0x800  }
0xeb: {  	[sflag:s31] =	ssyncset.done $0x0  }
0xec: {  	[sflag:s31] =	ssyncadd.s32 $0xFFFFF800  }
0xed: {  	_ =	strace $0x90000050  }
0xee: {  	_ =	sfence.sel $0x180000  }
0xef: {  	[bflag:$0x0] =	sbarrier.arrive $0xFFFF  }
0xf0: {  	_ =	strace $0x90000047  }
0xf1: {  	s0 =	stileid.u32;
	[bflag:$0x2] =	sbarrier.arrive $0xFFFF  }
0xf2: {  	p0 =	sne.s32 s0, $0x0;
	s0 =	rddreg [dreg:$0x1]  }
0xf3: {  	s0 =	sadd.s32 @!p0 $0x100000, s0  }
0xf4: {  	[sflag:s0] =	ssyncadd.tile.s32 @!p0 $0x1;
	_ =	shalt  }
.Lfunc_end2:
_tile_overlayer_lowered:
.L_overlay_start_2:
0xf5: {  	(tag) =	ssettag $0x2  }
0xf6: {  	s0 =	rddreg [dreg:$0x0];
	s2 =	stileid.u32  }
0xf7: {  	s1 =	rddreg [dreg:$0x1];
	p0 =	sne.s32 s2, $0x0  }
0xf8: {  	s3 =	rddreg [dreg:$0x2];
	[bflag:$0x3] =	sbarrier.arrive $0xFFFF;
	s2 =	simm.s32 @!p0 $0x1C01  }
0xf9: {  	[timem:s3], [sflag:s2] =	dma.local @!p0 [hbm:s0], s1  }
0xfa: {  	s0 =	simm.s32 @!p0 $0x1  }
0xfb: {  	_ =	swait.ge @!p0 [sflag:s0], s1  }
0xfc: {  	s1 =	ssub.s32 @!p0 $0x0, s1;
	[sflag:s0] =	ssyncset.done @!p0 $0x0  }
0xfd: {  	[sflag:s0] =	ssyncadd.s32 @!p0 s1  }
0xfe: {  	[bflag:$0x3] =	sbarrier.arrive $0xFFFF  }
0xff: {  	_ =	shalt  }

</sc_bundles>
